<compile_context>
chip_gen: v7x
topology: tpu7x:2x2x1
jax: 0.10.2.dev20260603
libtpu: 0.0.44.dev20260713+nightly
codegen_flags: <defaults>
</compile_context>

<pallas_src>
import jax
import jax.numpy as jnp
from jax import lax
from jax.experimental import pallas as pl
from jax.experimental.pallas import tpu as pltpu
from jax.experimental.pallas import tpu_sc as plsc

NC = 2
NS = 16

def _deg_body(dst_hbm, out_hbm, hist, dstw):
    c = lax.axis_index("c")
    s = lax.axis_index("s")
    w = c * NS + s
    npad = hist.shape[0]
    nch = dstw.shape[0] // 16
    zero16 = jnp.zeros((16,), jnp.float32)

    def zstep(i, carry):
        hist[pl.ds(i * 16, 16)] = zero16
        return carry

    lax.fori_loop(0, npad // 16, zstep, 0)
    pltpu.sync_copy(dst_hbm.at[w], dstw)
    ones = jnp.ones((16,), jnp.float32)

    def step(i, carry):
        idx = dstw[pl.ds(i * 16, 16)]
        plsc.addupdate_scatter(hist, [idx], ones)
        return carry

    lax.fori_loop(0, nch, step, 0)
    pltpu.sync_copy(hist, out_hbm.at[w])


def _degree_partials(dst_tiled, npad):
    mesh = plsc.VectorSubcoreMesh(
        core_axis_name="c", subcore_axis_name="s", num_cores=NC, num_subcores=NS)
    epw = dst_tiled.shape[1]
    fn = pl.kernel(
        _deg_body,
        out_type=jax.ShapeDtypeStruct((NC * NS, npad), jnp.float32),
        mesh=mesh,
        compiler_params=pltpu.CompilerParams(needs_layout_passes=False),
        scratch_types=[
            pltpu.VMEM((npad,), jnp.float32),
            pltpu.VMEM((epw,), jnp.int32),
        ],
    )
    return fn(dst_tiled)


def _mm_body(deg_ref, x_ref, w_ref, z2_ref, inv_ref):
    d = jnp.sum(deg_ref[...], axis=0) + 1.0
    inv = lax.rsqrt(d)
    xn = x_ref[...] * inv[:, None]
    z = jnp.dot(xn, w_ref[...], preferred_element_type=jnp.float32)
    h = z.shape[1] // 2
    z2_ref[0] = z[:, :h]
    z2_ref[1] = z[:, h:]
    inv_ref[...] = inv[:, None]


def _matmul(degp, x, W, npad, bn=2048):
    n, d = x.shape
    u = W.shape[1]
    h = u // 2
    grid = (-(-npad // bn),)
    return pl.pallas_call(
        _mm_body,
        grid=grid,
        in_specs=[
            pl.BlockSpec((NC * NS, bn), lambda i: (0, i)),
            pl.BlockSpec((bn, d), lambda i: (i, 0)),
            pl.BlockSpec((d, u), lambda i: (0, 0)),
        ],
        out_specs=[
            pl.BlockSpec((NC, bn, h), lambda i: (0, i, 0)),
            pl.BlockSpec((bn, 1), lambda i: (i, 0)),
        ],
        out_shape=[
            jax.ShapeDtypeStruct((NC, npad, h), jnp.float32),
            jax.ShapeDtypeStruct((n, 1), jnp.float32),
        ],
    )(degp, x, W)


def _scat_body(srcoff_hbm, dst_hbm, zflat_hbm, out_hbm,
               acc, srcb, dstb, r0, r1, sg, s0, s1, si0, si1, si2, si3):
    c = lax.axis_index("c")
    s = lax.axis_index("s")
    npad = acc.shape[0]
    npt = npad // NS
    nchunk = srcb.shape[0]
    pltpu.sync_copy(zflat_hbm.at[pl.ds(c * npad + s * npt, npt)],
                    acc.at[pl.ds(s * npt, npt)])
    pltpu.sync_copy(srcoff_hbm.at[c, s], srcb)
    plsc.subcore_barrier()

    def iload(j, k, sem):
        pltpu.async_copy(dst_hbm.at[s, j], dstb.at[k], sem)

    def iwait(k, sem):
        pltpu.make_async_copy(dst_hbm.at[s, 0], dstb.at[k], sem).wait()

    def gather(j, rows):
        pltpu.async_copy(zflat_hbm.at[srcb.at[j]], rows, sg).wait()

    def ascatter(k, rows, sem):
        pltpu.async_copy(rows, acc.at[dstb.at[k]], sem, add=True)

    def swait(rows, sem):
        pltpu.make_async_copy(rows, acc.at[dstb.at[0]], sem).wait()

    iload(0, 0, si0)
    iload(1, 1, si1)
    iload(2, 2, si2)
    iload(3, 3, si3)
    iwait(0, si0)
    gather(0, r0)
    ascatter(0, r0, s0)
    iwait(1, si1)
    gather(1, r1)
    ascatter(1, r1, s1)
    swait(r0, s0)
    iwait(2, si2)
    gather(2, r0)
    ascatter(2, r0, s0)
    iload(4, 0, si0)
    swait(r1, s1)
    iwait(3, si3)
    gather(3, r1)
    ascatter(3, r1, s1)
    iload(5, 1, si1)

    def body(jj, carry):
        j = jj * 4
        swait(r0, s0)
        iwait(0, si0)
        gather(j, r0)
        ascatter(0, r0, s0)
        iload(j + 2, 2, si2)
        swait(r1, s1)
        iwait(1, si1)
        gather(j + 1, r1)
        ascatter(1, r1, s1)
        iload(j + 3, 3, si3)
        swait(r0, s0)
        iwait(2, si2)
        gather(j + 2, r0)
        ascatter(2, r0, s0)

        @pl.when(j + 4 < nchunk)
        def _():
            iload(j + 4, 0, si0)

        swait(r1, s1)
        iwait(3, si3)
        gather(j + 3, r1)
        ascatter(3, r1, s1)

        @pl.when(j + 5 < nchunk)
        def _():
            iload(j + 5, 1, si1)

        return carry

    lax.fori_loop(1, nchunk // 4, body, 0)
    swait(r0, s0)
    swait(r1, s1)
    plsc.subcore_barrier()
    pltpu.sync_copy(acc.at[pl.ds(s * npt, npt)], out_hbm.at[c, pl.ds(s * npt, npt)])


def _message_pass(srcoff, dst_tiled, z2, npad, h):
    mesh = plsc.VectorSubcoreMesh(
        core_axis_name="c", subcore_axis_name="s", num_cores=NC, num_subcores=NS)
    nchunk, ch = dst_tiled.shape[1], dst_tiled.shape[2]
    zflat = z2.reshape(NC * npad, h)
    fn = pl.kernel(
        _scat_body,
        out_type=jax.ShapeDtypeStruct((NC, npad, h), jnp.float32),
        mesh=mesh,
        scratch_types=[
            pltpu.VMEM_SHARED((npad, h), jnp.float32),
            pltpu.VMEM((nchunk, ch), jnp.int32),
            pltpu.VMEM((4, ch), jnp.int32),
            pltpu.VMEM((ch, h), jnp.float32),
            pltpu.VMEM((ch, h), jnp.float32),
        ] + [pltpu.SemaphoreType.DMA] * 7,
    )
    return fn(srcoff, dst_tiled, zflat)


def _ep_body(p_ref, inv_ref, b_ref, o_ref):
    c = pl.program_id(1)
    bb = jnp.where(c == 0, b_ref[0], b_ref[1])
    o_ref[...] = jnp.maximum(p_ref[0] * inv_ref[...] + bb, 0.0)


def _epilogue(pooled, inv, b2, n, u, bn=10000):
    h = u // 2
    grid = (n // bn, NC)
    return pl.pallas_call(
        _ep_body,
        grid=grid,
        in_specs=[
            pl.BlockSpec((1, bn, h), lambda i, c: (c, i, 0)),
            pl.BlockSpec((bn, 1), lambda i, c: (i, 0)),
            pl.BlockSpec((NC, h), lambda i, c: (0, 0)),
        ],
        out_specs=pl.BlockSpec((bn, h), lambda i, c: (i, c)),
        out_shape=jax.ShapeDtypeStruct((n, u), jnp.float32),
    )(pooled, inv, b2)


def kernel(x, edge_index, W, b):
    n, d = x.shape
    u = W.shape[1]
    h = u // 2
    e = edge_index.shape[1]
    src = edge_index[0].astype(jnp.int32)
    dst = edge_index[1].astype(jnp.int32)
    npad = -(-n // (NS * 8)) * (NS * 8)

    nw = NC * NS
    epw = -(-e // (nw * 16)) * 16
    dst_deg = jnp.concatenate(
        [dst, jnp.full((nw * epw - e,), npad - 1, jnp.int32)]).reshape(nw, epw)

    ch = 100
    nch = -(-(e // NS) // (4 * ch)) * 4
    epad = NS * nch * ch - e
    srcp = jnp.concatenate([src, jnp.full((epad,), npad - 1, jnp.int32)])
    dstp = jnp.concatenate([dst, jnp.full((epad,), npad - 1, jnp.int32)])
    srcoff = jnp.stack([srcp, srcp + npad]).reshape(NC, NS, nch, ch)
    dst_sc = dstp.reshape(NS, nch, ch)

    degp = _degree_partials(dst_deg, npad)
    z2, inv = _matmul(degp, x, W, npad)
    pooled = _message_pass(srcoff, dst_sc, z2, npad, h)
    return _epilogue(pooled, inv, b.reshape(NC, h), n, u)

# --- scband reference (transcript-rebuilt; emitter-appended) ---
"""Pipeline reference for scband-gcnconv-22574348108623 (READ-ONLY COPY).

The authoritative reference and input builder live on the scoring server;
editing this copy changes nothing except your own understanding.
"""

import jax, jax.numpy as jnp
import numpy as np

N = 10000
E = 160000
D = 256
U = 256

def setup_inputs(seed: int = 0) -> dict:
    key = jax.random.key(seed)
    k1, k2, k3, k4 = jax.random.split(key, 4)
    x = jax.random.normal(k1, (N, D), dtype=jnp.float32)
    edge_index = jax.random.randint(k2, (2, E), 0, N).astype(jnp.int64)
    # Dense filter params (Glorot-uniform-like init)
    limit = np.sqrt(6.0 / (D + U)).astype(np.float32)
    W = jax.random.uniform(k3, (D, U), dtype=jnp.float32, minval=-limit, maxval=limit)
    b = jnp.zeros((U,), dtype=jnp.float32)
    return {"x": x, "edge_index": edge_index, "W": W, "b": b}

def reference(x, edge_index, W, b):
    src = edge_index[0]
    dst = edge_index[1]
    n = x.shape[0]
    e = src.shape[0]
    # in-degree at receiver (TARGET) via scatter-add of ones
    deg = jax.ops.segment_sum(jnp.ones((e,), dtype=x.dtype), dst, num_segments=n)
    # add_self_loops=True contributes 1 to each node's degree
    deg = deg + jnp.asarray(1.0, dtype=x.dtype)
    invsqrt_deg = jax.lax.rsqrt(deg)
    # normalize sender features
    normalized = invsqrt_deg[:, None] * x
    # broadcast node features to edges (gather at SOURCE)
    source_bcast = jnp.take(normalized, src, axis=0)
    # pool edges to receiver node (scatter-add at TARGET)
    pooled = jax.ops.segment_sum(source_bcast, dst, num_segments=n)
    pooled = invsqrt_deg[:, None] * pooled
    # self-loop contribution
    pooled = pooled + invsqrt_deg[:, None] * normalized
    # dense filter with relu activation and bias
    return jax.nn.relu(pooled @ W + b)

if __name__ == "__main__":
    import jax
    _d = setup_inputs()
    print(jax.jit(kernel)(*tuple(_d.values())))

</pallas_src>

<mosaic_0001>
#map = affine_map<(d0, d1) -> (0, 0)>
module attributes {stable_mosaic.version = 14 : i64} {
  func.func @_deg_body(%arg0: i32, %arg1: i32, %arg2: memref<32x5008xi32, #tpu.memory_space<hbm>>, %arg3: memref<32x10112xf32, #tpu.memory_space<hbm>>, %arg4: memref<10112xf32, #tpu.memory_space<vmem>>, %arg5: memref<5008xi32, #tpu.memory_space<vmem>>) attributes {dimension_semantics = [#tpu.dimension_semantics<core_parallel>, #tpu.dimension_semantics<subcore_parallel>], iteration_bounds = array<i64: 2, 16>, scalar_prefetch = 0 : i64, scratch_operands = 2 : i64, tpu.core_type = #tpu.core_type<sc_vector_subcore>, window_params = [{transform_indices = #map}, {transform_indices = #map}]} {
    %mul3A = arith.constant 16 : i32
    %mul3A_0 = arith.muli %arg0, %mul3A : i32
    %add3A = arith.addi %mul3A_0, %arg1 : i32
    %broadcast_in_dim3A = arith.constant 0.000000e+00 : f32
    %broadcast_in_dim3A_1 = vector.broadcast %broadcast_in_dim3A : f32 to vector<16xf32>
    %scan3A = arith.constant 0 : i32
    %scan3A_2 = arith.constant 0 : i32
    %scan3A_3 = arith.constant 632 : i32
    %scan3A_4 = arith.addi %scan3A_2, %scan3A_3 : i32
    %scan3A_5 = arith.constant 1 : i32
    scf.for %scan3A_15 = %scan3A_2 to %scan3A_4 step %scan3A_5  : i32 {
      %mul3A_16 = arith.constant 16 : i32
      %mul3A_17 = arith.muli %scan3A_15, %mul3A_16 : i32
      %swap3A = arith.index_cast %mul3A_17 : i32 to index
      %swap3A_18 = tpu.vector_load %arg4[%swap3A] {strides = array<i32>} : memref<10112xf32, #tpu.memory_space<vmem>>, vector<16xf32>,
      tpu.vector_store %arg4[%swap3A], %broadcast_in_dim3A_1 {strides = array<i32>} : memref<10112xf32, #tpu.memory_space<vmem>>, vector<16xf32>,
    }
    %scan3A_6 = arith.constant 632 : i32
    "tpu.region"() ({
      %run_scoped3A = tpu.sem_alloc : memref<!tpu.dma_semaphore, #tpu.memory_space<semaphore_mem>>
      %dma_start3A = arith.constant 0 : i32
      %dma_start3A_15 = tpu.memref_slice %arg2[%add3A, %dma_start3A] : memref<32x5008xi32, #tpu.memory_space<hbm>> -> memref<1x5008xi32, #tpu.memory_space<hbm>>
      %dma_start3A_16 = tpu.memref_squeeze %dma_start3A_15 : memref<1x5008xi32, #tpu.memory_space<hbm>> -> memref<5008xi32, #tpu.memory_space<hbm>>
      %dma_start3A_17 = arith.constant 0 : i32
      %dma_start3A_18 = tpu.memref_slice %arg2[%add3A, %dma_start3A_17] : memref<32x5008xi32, #tpu.memory_space<hbm>> -> memref<1x5008xi32, #tpu.memory_space<hbm>>
      %dma_start3A_19 = tpu.memref_squeeze %dma_start3A_18 : memref<1x5008xi32, #tpu.memory_space<hbm>> -> memref<5008xi32, #tpu.memory_space<hbm>>
      tpu.enqueue_dma source(%dma_start3A_19 : memref<5008xi32, #tpu.memory_space<hbm>>) target(%arg5 : memref<5008xi32, #tpu.memory_space<vmem>>) target_semaphore(%run_scoped3A : memref<!tpu.dma_semaphore, #tpu.memory_space<semaphore_mem>>)
      %dma_wait3A = arith.constant 0 : i32
      %dma_wait3A_20 = tpu.memref_slice %arg2[%add3A, %dma_wait3A] : memref<32x5008xi32, #tpu.memory_space<hbm>> -> memref<1x5008xi32, #tpu.memory_space<hbm>>
      %dma_wait3A_21 = tpu.memref_squeeze %dma_wait3A_20 : memref<1x5008xi32, #tpu.memory_space<hbm>> -> memref<5008xi32, #tpu.memory_space<hbm>>
      %dma_wait3A_22 = arith.constant 0 : i32
      %dma_wait3A_23 = tpu.memref_slice %arg2[%add3A, %dma_wait3A_22] : memref<32x5008xi32, #tpu.memory_space<hbm>> -> memref<1x5008xi32, #tpu.memory_space<hbm>>
      %dma_wait3A_24 = tpu.memref_squeeze %dma_wait3A_23 : memref<1x5008xi32, #tpu.memory_space<hbm>> -> memref<5008xi32, #tpu.memory_space<hbm>>
      tpu.wait_dma2 semaphore(%run_scoped3A : memref<!tpu.dma_semaphore, #tpu.memory_space<semaphore_mem>>) src(%dma_wait3A_24 : memref<5008xi32, #tpu.memory_space<hbm>>) dst(%arg5 : memref<5008xi32, #tpu.memory_space<vmem>>)
      tpu.yield
    }) : () -> ()
    %broadcast_in_dim3A_7 = arith.constant 1.000000e+00 : f32
    %broadcast_in_dim3A_8 = vector.broadcast %broadcast_in_dim3A_7 : f32 to vector<16xf32>
    %scan3A_9 = arith.constant 0 : i32
    %scan3A_10 = arith.constant 0 : i32
    %scan3A_11 = arith.constant 313 : i32
    %scan3A_12 = arith.addi %scan3A_10, %scan3A_11 : i32
    %scan3A_13 = arith.constant 1 : i32
    scf.for %scan3A_15 = %scan3A_10 to %scan3A_12 step %scan3A_13  : i32 {
      %mul3A_16 = arith.constant 16 : i32
      %mul3A_17 = arith.muli %scan3A_15, %mul3A_16 : i32
      %get3A = arith.index_cast %mul3A_17 : i32 to index
      %get3A_18 = tpu.vector_load %arg5[%get3A] {strides = array<i32>} : memref<5008xi32, #tpu.memory_space<vmem>>, vector<16xi32>,
      tpu.vector_store_idx %arg4[%get3A_18], %broadcast_in_dim3A_8 {add = true} : memref<10112xf32, #tpu.memory_space<vmem>>[vector<16xi32>], vector<16xf32>,
    }
    %scan3A_14 = arith.constant 313 : i32
    "tpu.region"() ({
      %run_scoped3A = tpu.sem_alloc : memref<!tpu.dma_semaphore, #tpu.memory_space<semaphore_mem>>
      %dma_start3A = arith.constant 0 : i32
      %dma_start3A_15 = tpu.memref_slice %arg3[%add3A, %dma_start3A] : memref<32x10112xf32, #tpu.memory_space<hbm>> -> memref<1x10112xf32, #tpu.memory_space<hbm>>
      %dma_start3A_16 = tpu.memref_squeeze %dma_start3A_15 : memref<1x10112xf32, #tpu.memory_space<hbm>> -> memref<10112xf32, #tpu.memory_space<hbm>>
      %dma_start3A_17 = arith.constant 0 : i32
      %dma_start3A_18 = tpu.memref_slice %arg3[%add3A, %dma_start3A_17] : memref<32x10112xf32, #tpu.memory_space<hbm>> -> memref<1x10112xf32, #tpu.memory_space<hbm>>
      %dma_start3A_19 = tpu.memref_squeeze %dma_start3A_18 : memref<1x10112xf32, #tpu.memory_space<hbm>> -> memref<10112xf32, #tpu.memory_space<hbm>>
      tpu.enqueue_dma source(%arg4 : memref<10112xf32, #tpu.memory_space<vmem>>) target(%dma_start3A_19 : memref<10112xf32, #tpu.memory_space<hbm>>) target_semaphore(%run_scoped3A : memref<!tpu.dma_semaphore, #tpu.memory_space<semaphore_mem>>)
      %dma_wait3A = arith.constant 0 : i32
      %dma_wait3A_20 = tpu.memref_slice %arg3[%add3A, %dma_wait3A] : memref<32x10112xf32, #tpu.memory_space<hbm>> -> memref<1x10112xf32, #tpu.memory_space<hbm>>
      %dma_wait3A_21 = tpu.memref_squeeze %dma_wait3A_20 : memref<1x10112xf32, #tpu.memory_space<hbm>> -> memref<10112xf32, #tpu.memory_space<hbm>>
      %dma_wait3A_22 = arith.constant 0 : i32
      %dma_wait3A_23 = tpu.memref_slice %arg3[%add3A, %dma_wait3A_22] : memref<32x10112xf32, #tpu.memory_space<hbm>> -> memref<1x10112xf32, #tpu.memory_space<hbm>>
      %dma_wait3A_24 = tpu.memref_squeeze %dma_wait3A_23 : memref<1x10112xf32, #tpu.memory_space<hbm>> -> memref<10112xf32, #tpu.memory_space<hbm>>
      tpu.wait_dma2 semaphore(%run_scoped3A : memref<!tpu.dma_semaphore, #tpu.memory_space<semaphore_mem>>) src(%arg4 : memref<10112xf32, #tpu.memory_space<vmem>>) dst(%dma_wait3A_24 : memref<10112xf32, #tpu.memory_space<hbm>>)
      tpu.yield
    }) : () -> ()
    return
  }
}

#map = affine_map<(d0, d1) -> (0, 0, 0, 0)>
#map1 = affine_map<(d0, d1) -> (0, 0, 0)>
#map2 = affine_map<(d0, d1) -> (0, 0)>
module attributes {stable_mosaic.version = 14 : i64} {
  func.func @_scat_body(%arg0: i32, %arg1: i32, %arg2: memref<2x16x100x100xi32, #tpu.memory_space<hbm>>, %arg3: memref<16x100x100xi32, #tpu.memory_space<hbm>>, %arg4: memref<20224x128xf32, #tpu.memory_space<hbm>>, %arg5: memref<2x10112x128xf32, #tpu.memory_space<hbm>>, %arg6: memref<10112x128xf32, #tpu.memory_space<vmem_shared>>, %arg7: memref<100x100xi32, #tpu.memory_space<vmem>>, %arg8: memref<4x100xi32, #tpu.memory_space<vmem>>, %arg9: memref<100x128xf32, #tpu.memory_space<vmem>>, %arg10: memref<100x128xf32, #tpu.memory_space<vmem>>, %arg11: memref<!tpu.dma_semaphore, #tpu.memory_space<semaphore_mem>>, %arg12: memref<!tpu.dma_semaphore, #tpu.memory_space<semaphore_mem>>, %arg13: memref<!tpu.dma_semaphore, #tpu.memory_space<semaphore_mem>>, %arg14: memref<!tpu.dma_semaphore, #tpu.memory_space<semaphore_mem>>, %arg15: memref<!tpu.dma_semaphore, #tpu.memory_space<semaphore_mem>>, %arg16: memref<!tpu.dma_semaphore, #tpu.memory_space<semaphore_mem>>, %arg17: memref<!tpu.dma_semaphore, #tpu.memory_space<semaphore_mem>>) attributes {dimension_semantics = [#tpu.dimension_semantics<core_parallel>, #tpu.dimension_semantics<subcore_parallel>], iteration_bounds = array<i64: 2, 16>, scalar_prefetch = 0 : i64, scratch_operands = 12 : i64, tpu.core_type = #tpu.core_type<sc_vector_subcore>, window_params = [{transform_indices = #map}, {transform_indices = #map1}, {transform_indices = #map2}, {transform_indices = #map1}]} {
    %mul3A = arith.constant 10112 : i32
    %mul3A_0 = arith.muli %arg0, %mul3A : i32
    %mul3A_1 = arith.constant 632 : i32
    %mul3A_2 = arith.muli %arg1, %mul3A_1 : i32
    %add3A = arith.addi %mul3A_0, %mul3A_2 : i32
    %mul3A_3 = arith.constant 632 : i32
    %mul3A_4 = arith.muli %arg1, %mul3A_3 : i32
    "tpu.region"() ({
      %run_scoped3A = tpu.sem_alloc : memref<!tpu.dma_semaphore, #tpu.memory_space<semaphore_mem>>
      %dma_start3A_265 = arith.constant 0 : i32
      %dma_start3A_266 = tpu.memref_slice %arg6[%mul3A_4, %dma_start3A_265] : memref<10112x128xf32, #tpu.memory_space<vmem_shared>> -> memref<632x128xf32, #tpu.memory_space<vmem_shared>>
      %dma_start3A_267 = arith.constant 0 : i32
      %dma_start3A_268 = tpu.memref_slice %arg4[%add3A, %dma_start3A_267] : memref<20224x128xf32, #tpu.memory_space<hbm>> -> memref<632x128xf32, #tpu.memory_space<hbm>>
      tpu.enqueue_dma source(%dma_start3A_268 : memref<632x128xf32, #tpu.memory_space<hbm>>) target(%dma_start3A_266 : memref<632x128xf32, #tpu.memory_space<vmem_shared>>) target_semaphore(%run_scoped3A : memref<!tpu.dma_semaphore, #tpu.memory_space<semaphore_mem>>)
      %dma_wait3A_269 = arith.constant 0 : i32
      %dma_wait3A_270 = tpu.memref_slice %arg6[%mul3A_4, %dma_wait3A_269] : memref<10112x128xf32, #tpu.memory_space<vmem_shared>> -> memref<632x128xf32, #tpu.memory_space<vmem_shared>>
      %dma_wait3A_271 = arith.constant 0 : i32
      %dma_wait3A_272 = tpu.memref_slice %arg4[%add3A, %dma_wait3A_271] : memref<20224x128xf32, #tpu.memory_space<hbm>> -> memref<632x128xf32, #tpu.memory_space<hbm>>
      tpu.wait_dma2 semaphore(%run_scoped3A : memref<!tpu.dma_semaphore, #tpu.memory_space<semaphore_mem>>) src(%dma_wait3A_272 : memref<632x128xf32, #tpu.memory_space<hbm>>) dst(%dma_wait3A_270 : memref<632x128xf32, #tpu.memory_space<vmem_shared>>)
      tpu.yield
    }) : () -> ()
    "tpu.region"() ({
      %run_scoped3A = tpu.sem_alloc : memref<!tpu.dma_semaphore, #tpu.memory_space<semaphore_mem>>
      %dma_start3A_265 = arith.constant 0 : i32
      %dma_start3A_266 = arith.constant 0 : i32
      %dma_start3A_267 = tpu.memref_slice %arg2[%arg0, %arg1, %dma_start3A_265, %dma_start3A_266] : memref<2x16x100x100xi32, #tpu.memory_space<hbm>> -> memref<1x1x100x100xi32, #tpu.memory_space<hbm>>
      %dma_start3A_268 = tpu.memref_squeeze %dma_start3A_267 : memref<1x1x100x100xi32, #tpu.memory_space<hbm>> -> memref<100x100xi32, #tpu.memory_space<hbm>>
      %dma_start3A_269 = arith.constant 0 : i32
      %dma_start3A_270 = arith.constant 0 : i32
      %dma_start3A_271 = tpu.memref_slice %arg2[%arg0, %arg1, %dma_start3A_269, %dma_start3A_270] : memref<2x16x100x100xi32, #tpu.memory_space<hbm>> -> memref<1x1x100x100xi32, #tpu.memory_space<hbm>>
      %dma_start3A_272 = tpu.memref_squeeze %dma_start3A_271 : memref<1x1x100x100xi32, #tpu.memory_space<hbm>> -> memref<100x100xi32, #tpu.memory_space<hbm>>
      tpu.enqueue_dma source(%dma_start3A_272 : memref<100x100xi32, #tpu.memory_space<hbm>>) target(%arg7 : memref<100x100xi32, #tpu.memory_space<vmem>>) target_semaphore(%run_scoped3A : memref<!tpu.dma_semaphore, #tpu.memory_space<semaphore_mem>>)
      %dma_wait3A_273 = arith.constant 0 : i32
      %dma_wait3A_274 = arith.constant 0 : i32
      %dma_wait3A_275 = tpu.memref_slice %arg2[%arg0, %arg1, %dma_wait3A_273, %dma_wait3A_274] : memref<2x16x100x100xi32, #tpu.memory_space<hbm>> -> memref<1x1x100x100xi32, #tpu.memory_space<hbm>>
      %dma_wait3A_276 = tpu.memref_squeeze %dma_wait3A_275 : memref<1x1x100x100xi32, #tpu.memory_space<hbm>> -> memref<100x100xi32, #tpu.memory_space<hbm>>
      %dma_wait3A_277 = arith.constant 0 : i32
      %dma_wait3A_278 = arith.constant 0 : i32
      %dma_wait3A_279 = tpu.memref_slice %arg2[%arg0, %arg1, %dma_wait3A_277, %dma_wait3A_278] : memref<2x16x100x100xi32, #tpu.memory_space<hbm>> -> memref<1x1x100x100xi32, #tpu.memory_space<hbm>>
      %dma_wait3A_280 = tpu.memref_squeeze %dma_wait3A_279 : memref<1x1x100x100xi32, #tpu.memory_space<hbm>> -> memref<100x100xi32, #tpu.memory_space<hbm>>
      tpu.wait_dma2 semaphore(%run_scoped3A : memref<!tpu.dma_semaphore, #tpu.memory_space<semaphore_mem>>) src(%dma_wait3A_280 : memref<100x100xi32, #tpu.memory_space<hbm>>) dst(%arg7 : memref<100x100xi32, #tpu.memory_space<vmem>>)
      tpu.yield
    }) : () -> ()
    %barrier3A = arith.constant 0 : index
    tpu.barrier barrier_id(%barrier3A)
    %dma_start3A = arith.constant 0 : i32
    %dma_start3A_5 = arith.constant 0 : i32
    %dma_start3A_6 = arith.constant 0 : i32
    %dma_start3A_7 = tpu.memref_slice %arg8[%dma_start3A_5, %dma_start3A_6] : memref<4x100xi32, #tpu.memory_space<vmem>> -> memref<1x100xi32, #tpu.memory_space<vmem>>
    %dma_start3A_8 = tpu.memref_squeeze %dma_start3A_7 : memref<1x100xi32, #tpu.memory_space<vmem>> -> memref<100xi32, #tpu.memory_space<vmem>>
    %dma_start3A_9 = arith.constant 0 : i32
    %dma_start3A_10 = tpu.memref_slice %arg3[%arg1, %dma_start3A, %dma_start3A_9] : memref<16x100x100xi32, #tpu.memory_space<hbm>> -> memref<1x1x100xi32, #tpu.memory_space<hbm>>
    %dma_start3A_11 = tpu.memref_squeeze %dma_start3A_10 : memref<1x1x100xi32, #tpu.memory_space<hbm>> -> memref<100xi32, #tpu.memory_space<hbm>>
    %dma_start3A_12 = arith.constant 0 : i32
    %dma_start3A_13 = tpu.memref_slice %arg8[%dma_start3A_5, %dma_start3A_12] : memref<4x100xi32, #tpu.memory_space<vmem>> -> memref<1x100xi32, #tpu.memory_space<vmem>>
    %dma_start3A_14 = tpu.memref_squeeze %dma_start3A_13 : memref<1x100xi32, #tpu.memory_space<vmem>> -> memref<100xi32, #tpu.memory_space<vmem>>
    %dma_start3A_15 = arith.constant 0 : i32
    %dma_start3A_16 = tpu.memref_slice %arg3[%arg1, %dma_start3A, %dma_start3A_15] : memref<16x100x100xi32, #tpu.memory_space<hbm>> -> memref<1x1x100xi32, #tpu.memory_space<hbm>>
    %dma_start3A_17 = tpu.memref_squeeze %dma_start3A_16 : memref<1x1x100xi32, #tpu.memory_space<hbm>> -> memref<100xi32, #tpu.memory_space<hbm>>
    tpu.enqueue_dma source(%dma_start3A_17 : memref<100xi32, #tpu.memory_space<hbm>>) target(%dma_start3A_14 : memref<100xi32, #tpu.memory_space<vmem>>) target_semaphore(%arg14 : memref<!tpu.dma_semaphore, #tpu.memory_space<semaphore_mem>>)
    %dma_start3A_18 = arith.constant 1 : i32
    %dma_start3A_19 = arith.constant 1 : i32
    %dma_start3A_20 = arith.constant 0 : i32
    %dma_start3A_21 = tpu.memref_slice %arg8[%dma_start3A_19, %dma_start3A_20] : memref<4x100xi32, #tpu.memory_space<vmem>> -> memref<1x100xi32, #tpu.memory_space<vmem>>
    %dma_start3A_22 = tpu.memref_squeeze %dma_start3A_21 : memref<1x100xi32, #tpu.memory_space<vmem>> -> memref<100xi32, #tpu.memory_space<vmem>>
    %dma_start3A_23 = arith.constant 0 : i32
    %dma_start3A_24 = tpu.memref_slice %arg3[%arg1, %dma_start3A_18, %dma_start3A_23] : memref<16x100x100xi32, #tpu.memory_space<hbm>> -> memref<1x1x100xi32, #tpu.memory_space<hbm>>
    %dma_start3A_25 = tpu.memref_squeeze %dma_start3A_24 : memref<1x1x100xi32, #tpu.memory_space<hbm>> -> memref<100xi32, #tpu.memory_space<hbm>>
    %dma_start3A_26 = arith.constant 0 : i32
    %dma_start3A_27 = tpu.memref_slice %arg8[%dma_start3A_19, %dma_start3A_26] : memref<4x100xi32, #tpu.memory_space<vmem>> -> memref<1x100xi32, #tpu.memory_space<vmem>>
    %dma_start3A_28 = tpu.memref_squeeze %dma_start3A_27 : memref<1x100xi32, #tpu.memory_space<vmem>> -> memref<100xi32, #tpu.memory_space<vmem>>
    %dma_start3A_29 = arith.constant 0 : i32
    %dma_start3A_30 = tpu.memref_slice %arg3[%arg1, %dma_start3A_18, %dma_start3A_29] : memref<16x100x100xi32, #tpu.memory_space<hbm>> -> memref<1x1x100xi32, #tpu.memory_space<hbm>>
    %dma_start3A_31 = tpu.memref_squeeze %dma_start3A_30 : memref<1x1x100xi32, #tpu.memory_space<hbm>> -> memref<100xi32, #tpu.memory_space<hbm>>
    tpu.enqueue_dma source(%dma_start3A_31 : memref<100xi32, #tpu.memory_space<hbm>>) target(%dma_start3A_28 : memref<100xi32, #tpu.memory_space<vmem>>) target_semaphore(%arg15 : memref<!tpu.dma_semaphore, #tpu.memory_space<semaphore_mem>>)
    %dma_start3A_32 = arith.constant 2 : i32
    %dma_start3A_33 = arith.constant 2 : i32
    %dma_start3A_34 = arith.constant 0 : i32
    %dma_start3A_35 = tpu.memref_slice %arg8[%dma_start3A_33, %dma_start3A_34] : memref<4x100xi32, #tpu.memory_space<vmem>> -> memref<1x100xi32, #tpu.memory_space<vmem>>
    %dma_start3A_36 = tpu.memref_squeeze %dma_start3A_35 : memref<1x100xi32, #tpu.memory_space<vmem>> -> memref<100xi32, #tpu.memory_space<vmem>>
    %dma_start3A_37 = arith.constant 0 : i32
    %dma_start3A_38 = tpu.memref_slice %arg3[%arg1, %dma_start3A_32, %dma_start3A_37] : memref<16x100x100xi32, #tpu.memory_space<hbm>> -> memref<1x1x100xi32, #tpu.memory_space<hbm>>
    %dma_start3A_39 = tpu.memref_squeeze %dma_start3A_38 : memref<1x1x100xi32, #tpu.memory_space<hbm>> -> memref<100xi32, #tpu.memory_space<hbm>>
    %dma_start3A_40 = arith.constant 0 : i32
    %dma_start3A_41 = tpu.memref_slice %arg8[%dma_start3A_33, %dma_start3A_40] : memref<4x100xi32, #tpu.memory_space<vmem>> -> memref<1x100xi32, #tpu.memory_space<vmem>>
    %dma_start3A_42 = tpu.memref_squeeze %dma_start3A_41 : memref<1x100xi32, #tpu.memory_space<vmem>> -> memref<100xi32, #tpu.memory_space<vmem>>
    %dma_start3A_43 = arith.constant 0 : i32
    %dma_start3A_44 = tpu.memref_slice %arg3[%arg1, %dma_start3A_32, %dma_start3A_43] : memref<16x100x100xi32, #tpu.memory_space<hbm>> -> memref<1x1x100xi32, #tpu.memory_space<hbm>>
    %dma_start3A_45 = tpu.memref_squeeze %dma_start3A_44 : memref<1x1x100xi32, #tpu.memory_space<hbm>> -> memref<100xi32, #tpu.memory_space<hbm>>
    tpu.enqueue_dma source(%dma_start3A_45 : memref<100xi32, #tpu.memory_space<hbm>>) target(%dma_start3A_42 : memref<100xi32, #tpu.memory_space<vmem>>) target_semaphore(%arg16 : memref<!tpu.dma_semaphore, #tpu.memory_space<semaphore_mem>>)
    %dma_start3A_46 = arith.constant 3 : i32
    %dma_start3A_47 = arith.constant 3 : i32
    %dma_start3A_48 = arith.constant 0 : i32
    %dma_start3A_49 = tpu.memref_slice %arg8[%dma_start3A_47, %dma_start3A_48] : memref<4x100xi32, #tpu.memory_space<vmem>> -> memref<1x100xi32, #tpu.memory_space<vmem>>
    %dma_start3A_50 = tpu.memref_squeeze %dma_start3A_49 : memref<1x100xi32, #tpu.memory_space<vmem>> -> memref<100xi32, #tpu.memory_space<vmem>>
    %dma_start3A_51 = arith.constant 0 : i32
    %dma_start3A_52 = tpu.memref_slice %arg3[%arg1, %dma_start3A_46, %dma_start3A_51] : memref<16x100x100xi32, #tpu.memory_space<hbm>> -> memref<1x1x100xi32, #tpu.memory_space<hbm>>
    %dma_start3A_53 = tpu.memref_squeeze %dma_start3A_52 : memref<1x1x100xi32, #tpu.memory_space<hbm>> -> memref<100xi32, #tpu.memory_space<hbm>>
    %dma_start3A_54 = arith.constant 0 : i32
    %dma_start3A_55 = tpu.memref_slice %arg8[%dma_start3A_47, %dma_start3A_54] : memref<4x100xi32, #tpu.memory_space<vmem>> -> memref<1x100xi32, #tpu.memory_space<vmem>>
    %dma_start3A_56 = tpu.memref_squeeze %dma_start3A_55 : memref<1x100xi32, #tpu.memory_space<vmem>> -> memref<100xi32, #tpu.memory_space<vmem>>
    %dma_start3A_57 = arith.constant 0 : i32
    %dma_start3A_58 = tpu.memref_slice %arg3[%arg1, %dma_start3A_46, %dma_start3A_57] : memref<16x100x100xi32, #tpu.memory_space<hbm>> -> memref<1x1x100xi32, #tpu.memory_space<hbm>>
    %dma_start3A_59 = tpu.memref_squeeze %dma_start3A_58 : memref<1x1x100xi32, #tpu.memory_space<hbm>> -> memref<100xi32, #tpu.memory_space<hbm>>
    tpu.enqueue_dma source(%dma_start3A_59 : memref<100xi32, #tpu.memory_space<hbm>>) target(%dma_start3A_56 : memref<100xi32, #tpu.memory_space<vmem>>) target_semaphore(%arg17 : memref<!tpu.dma_semaphore, #tpu.memory_space<semaphore_mem>>)
    %dma_wait3A = arith.constant 0 : i32
    %dma_wait3A_60 = arith.constant 0 : i32
    %dma_wait3A_61 = arith.constant 0 : i32
    %dma_wait3A_62 = tpu.memref_slice %arg8[%dma_wait3A_60, %dma_wait3A_61] : memref<4x100xi32, #tpu.memory_space<vmem>> -> memref<1x100xi32, #tpu.memory_space<vmem>>
    %dma_wait3A_63 = tpu.memref_squeeze %dma_wait3A_62 : memref<1x100xi32, #tpu.memory_space<vmem>> -> memref<100xi32, #tpu.memory_space<vmem>>
    %dma_wait3A_64 = arith.constant 0 : i32
    %dma_wait3A_65 = tpu.memref_slice %arg3[%arg1, %dma_wait3A, %dma_wait3A_64] : memref<16x100x100xi32, #tpu.memory_space<hbm>> -> memref<1x1x100xi32, #tpu.memory_space<hbm>>
    %dma_wait3A_66 = tpu.memref_squeeze %dma_wait3A_65 : memref<1x1x100xi32, #tpu.memory_space<hbm>> -> memref<100xi32, #tpu.memory_space<hbm>>
    %dma_wait3A_67 = arith.constant 0 : i32
    %dma_wait3A_68 = tpu.memref_slice %arg8[%dma_wait3A_60, %dma_wait3A_67] : memref<4x100xi32, #tpu.memory_space<vmem>> -> memref<1x100xi32, #tpu.memory_space<vmem>>
    %dma_wait3A_69 = tpu.memref_squeeze %dma_wait3A_68 : memref<1x100xi32, #tpu.memory_space<vmem>> -> memref<100xi32, #tpu.memory_space<vmem>>
    %dma_wait3A_70 = arith.constant 0 : i32
    %dma_wait3A_71 = tpu.memref_slice %arg3[%arg1, %dma_wait3A, %dma_wait3A_70] : memref<16x100x100xi32, #tpu.memory_space<hbm>> -> memref<1x1x100xi32, #tpu.memory_space<hbm>>
    %dma_wait3A_72 = tpu.memref_squeeze %dma_wait3A_71 : memref<1x1x100xi32, #tpu.memory_space<hbm>> -> memref<100xi32, #tpu.memory_space<hbm>>
    tpu.wait_dma2 semaphore(%arg14 : memref<!tpu.dma_semaphore, #tpu.memory_space<semaphore_mem>>) src(%dma_wait3A_72 : memref<100xi32, #tpu.memory_space<hbm>>) dst(%dma_wait3A_69 : memref<100xi32, #tpu.memory_space<vmem>>)
    %dma_start3A_73 = arith.constant 0 : i32
    %dma_start3A_74 = arith.constant 0 : i32
    %dma_start3A_75 = tpu.memref_slice %arg7[%dma_start3A_73, %dma_start3A_74] : memref<100x100xi32, #tpu.memory_space<vmem>> -> memref<1x100xi32, #tpu.memory_space<vmem>>
    %dma_start3A_76 = tpu.memref_squeeze %dma_start3A_75 : memref<1x100xi32, #tpu.memory_space<vmem>> -> memref<100xi32, #tpu.memory_space<vmem>>
    %dma_start3A_77 = arith.constant 0 : i32
    %dma_start3A_78 = arith.constant 0 : i32
    %dma_start3A_79 = tpu.memref_slice %arg4[%dma_start3A_77, %dma_start3A_78] : memref<20224x128xf32, #tpu.memory_space<hbm>> -> memref<20224x128xf32, #tpu.memory_space<hbm>>
    tpu.enqueue_indirect_dma source(%dma_start3A_79 : memref<20224x128xf32, #tpu.memory_space<hbm>>) target(%arg9 : memref<100x128xf32, #tpu.memory_space<vmem>>) offsets(%dma_start3A_76 : memref<100xi32, #tpu.memory_space<vmem>>) semaphore(%arg11 : memref<!tpu.dma_semaphore, #tpu.memory_space<semaphore_mem>>)
    %dma_wait3A_80 = arith.constant 0 : i32
    %dma_wait3A_81 = arith.constant 0 : i32
    %dma_wait3A_82 = tpu.memref_slice %arg7[%dma_wait3A_80, %dma_wait3A_81] : memref<100x100xi32, #tpu.memory_space<vmem>> -> memref<1x100xi32, #tpu.memory_space<vmem>>
    %dma_wait3A_83 = tpu.memref_squeeze %dma_wait3A_82 : memref<1x100xi32, #tpu.memory_space<vmem>> -> memref<100xi32, #tpu.memory_space<vmem>>
    %dma_wait3A_84 = arith.constant 0 : i32
    %dma_wait3A_85 = arith.constant 0 : i32
    %dma_wait3A_86 = tpu.memref_slice %arg4[%dma_wait3A_84, %dma_wait3A_85] : memref<20224x128xf32, #tpu.memory_space<hbm>> -> memref<20224x128xf32, #tpu.memory_space<hbm>>
    tpu.wait_indirect_dma semaphore(%arg11 : memref<!tpu.dma_semaphore, #tpu.memory_space<semaphore_mem>>) src(%dma_wait3A_86 : memref<20224x128xf32, #tpu.memory_space<hbm>>) dst(%arg9 : memref<100x128xf32, #tpu.memory_space<vmem>>)
    %dma_start3A_87 = arith.constant 0 : i32
    %dma_start3A_88 = arith.constant 0 : i32
    %dma_start3A_89 = tpu.memref_slice %arg8[%dma_start3A_87, %dma_start3A_88] : memref<4x100xi32, #tpu.memory_space<vmem>> -> memref<1x100xi32, #tpu.memory_space<vmem>>
    %dma_start3A_90 = tpu.memref_squeeze %dma_start3A_89 : memref<1x100xi32, #tpu.memory_space<vmem>> -> memref<100xi32, #tpu.memory_space<vmem>>
    %dma_start3A_91 = arith.constant 0 : i32
    %dma_start3A_92 = arith.constant 0 : i32
    %dma_start3A_93 = tpu.memref_slice %arg6[%dma_start3A_91, %dma_start3A_92] : memref<10112x128xf32, #tpu.memory_space<vmem_shared>> -> memref<10112x128xf32, #tpu.memory_space<vmem_shared>>
    tpu.enqueue_indirect_dma source(%arg9 : memref<100x128xf32, #tpu.memory_space<vmem>>) target(%dma_start3A_93 : memref<10112x128xf32, #tpu.memory_space<vmem_shared>>) offsets(%dma_start3A_90 : memref<100xi32, #tpu.memory_space<vmem>>) semaphore(%arg12 : memref<!tpu.dma_semaphore, #tpu.memory_space<semaphore_mem>>) {add = true}
    %dma_wait3A_94 = arith.constant 0 : i32
    %dma_wait3A_95 = arith.constant 1 : i32
    %dma_wait3A_96 = arith.constant 0 : i32
    %dma_wait3A_97 = tpu.memref_slice %arg8[%dma_wait3A_95, %dma_wait3A_96] : memref<4x100xi32, #tpu.memory_space<vmem>> -> memref<1x100xi32, #tpu.memory_space<vmem>>
    %dma_wait3A_98 = tpu.memref_squeeze %dma_wait3A_97 : memref<1x100xi32, #tpu.memory_space<vmem>> -> memref<100xi32, #tpu.memory_space<vmem>>
    %dma_wait3A_99 = arith.constant 0 : i32
    %dma_wait3A_100 = tpu.memref_slice %arg3[%arg1, %dma_wait3A_94, %dma_wait3A_99] : memref<16x100x100xi32, #tpu.memory_space<hbm>> -> memref<1x1x100xi32, #tpu.memory_space<hbm>>
    %dma_wait3A_101 = tpu.memref_squeeze %dma_wait3A_100 : memref<1x1x100xi32, #tpu.memory_space<hbm>> -> memref<100xi32, #tpu.memory_space<hbm>>
    %dma_wait3A_102 = arith.constant 0 : i32
    %dma_wait3A_103 = tpu.memref_slice %arg8[%dma_wait3A_95, %dma_wait3A_102] : memref<4x100xi32, #tpu.memory_space<vmem>> -> memref<1x100xi32, #tpu.memory_space<vmem>>
    %dma_wait3A_104 = tpu.memref_squeeze %dma_wait3A_103 : memref<1x100xi32, #tpu.memory_space<vmem>> -> memref<100xi32, #tpu.memory_space<vmem>>
    %dma_wait3A_105 = arith.constant 0 : i32
    %dma_wait3A_106 = tpu.memref_slice %arg3[%arg1, %dma_wait3A_94, %dma_wait3A_105] : memref<16x100x100xi32, #tpu.memory_space<hbm>> -> memref<1x1x100xi32, #tpu.memory_space<hbm>>
    %dma_wait3A_107 = tpu.memref_squeeze %dma_wait3A_106 : memref<1x1x100xi32, #tpu.memory_space<hbm>> -> memref<100xi32, #tpu.memory_space<hbm>>
    tpu.wait_dma2 semaphore(%arg15 : memref<!tpu.dma_semaphore, #tpu.memory_space<semaphore_mem>>) src(%dma_wait3A_107 : memref<100xi32, #tpu.memory_space<hbm>>) dst(%dma_wait3A_104 : memref<100xi32, #tpu.memory_space<vmem>>)
    %dma_start3A_108 = arith.constant 1 : i32
    %dma_start3A_109 = arith.constant 0 : i32
    %dma_start3A_110 = tpu.memref_slice %arg7[%dma_start3A_108, %dma_start3A_109] : memref<100x100xi32, #tpu.memory_space<vmem>> -> memref<1x100xi32, #tpu.memory_space<vmem>>
    %dma_start3A_111 = tpu.memref_squeeze %dma_start3A_110 : memref<1x100xi32, #tpu.memory_space<vmem>> -> memref<100xi32, #tpu.memory_space<vmem>>
    %dma_start3A_112 = arith.constant 0 : i32
    %dma_start3A_113 = arith.constant 0 : i32
    %dma_start3A_114 = tpu.memref_slice %arg4[%dma_start3A_112, %dma_start3A_113] : memref<20224x128xf32, #tpu.memory_space<hbm>> -> memref<20224x128xf32, #tpu.memory_space<hbm>>
    tpu.enqueue_indirect_dma source(%dma_start3A_114 : memref<20224x128xf32, #tpu.memory_space<hbm>>) target(%arg10 : memref<100x128xf32, #tpu.memory_space<vmem>>) offsets(%dma_start3A_111 : memref<100xi32, #tpu.memory_space<vmem>>) semaphore(%arg11 : memref<!tpu.dma_semaphore, #tpu.memory_space<semaphore_mem>>)
    %dma_wait3A_115 = arith.constant 1 : i32
    %dma_wait3A_116 = arith.constant 0 : i32
    %dma_wait3A_117 = tpu.memref_slice %arg7[%dma_wait3A_115, %dma_wait3A_116] : memref<100x100xi32, #tpu.memory_space<vmem>> -> memref<1x100xi32, #tpu.memory_space<vmem>>
    %dma_wait3A_118 = tpu.memref_squeeze %dma_wait3A_117 : memref<1x100xi32, #tpu.memory_space<vmem>> -> memref<100xi32, #tpu.memory_space<vmem>>
    %dma_wait3A_119 = arith.constant 0 : i32
    %dma_wait3A_120 = arith.constant 0 : i32
    %dma_wait3A_121 = tpu.memref_slice %arg4[%dma_wait3A_119, %dma_wait3A_120] : memref<20224x128xf32, #tpu.memory_space<hbm>> -> memref<20224x128xf32, #tpu.memory_space<hbm>>
    tpu.wait_indirect_dma semaphore(%arg11 : memref<!tpu.dma_semaphore, #tpu.memory_space<semaphore_mem>>) src(%dma_wait3A_121 : memref<20224x128xf32, #tpu.memory_space<hbm>>) dst(%arg10 : memref<100x128xf32, #tpu.memory_space<vmem>>)
    %dma_start3A_122 = arith.constant 1 : i32
    %dma_start3A_123 = arith.constant 0 : i32
    %dma_start3A_124 = tpu.memref_slice %arg8[%dma_start3A_122, %dma_start3A_123] : memref<4x100xi32, #tpu.memory_space<vmem>> -> memref<1x100xi32, #tpu.memory_space<vmem>>
    %dma_start3A_125 = tpu.memref_squeeze %dma_start3A_124 : memref<1x100xi32, #tpu.memory_space<vmem>> -> memref<100xi32, #tpu.memory_space<vmem>>
    %dma_start3A_126 = arith.constant 0 : i32
    %dma_start3A_127 = arith.constant 0 : i32
    %dma_start3A_128 = tpu.memref_slice %arg6[%dma_start3A_126, %dma_start3A_127] : memref<10112x128xf32, #tpu.memory_space<vmem_shared>> -> memref<10112x128xf32, #tpu.memory_space<vmem_shared>>
    tpu.enqueue_indirect_dma source(%arg10 : memref<100x128xf32, #tpu.memory_space<vmem>>) target(%dma_start3A_128 : memref<10112x128xf32, #tpu.memory_space<vmem_shared>>) offsets(%dma_start3A_125 : memref<100xi32, #tpu.memory_space<vmem>>) semaphore(%arg13 : memref<!tpu.dma_semaphore, #tpu.memory_space<semaphore_mem>>) {add = true}
    %dma_wait3A_129 = arith.constant 0 : i32
    %dma_wait3A_130 = arith.constant 0 : i32
    %dma_wait3A_131 = tpu.memref_slice %arg8[%dma_wait3A_129, %dma_wait3A_130] : memref<4x100xi32, #tpu.memory_space<vmem>> -> memref<1x100xi32, #tpu.memory_space<vmem>>
    %dma_wait3A_132 = tpu.memref_squeeze %dma_wait3A_131 : memref<1x100xi32, #tpu.memory_space<vmem>> -> memref<100xi32, #tpu.memory_space<vmem>>
    %dma_wait3A_133 = arith.constant 0 : i32
    %dma_wait3A_134 = arith.constant 0 : i32
    %dma_wait3A_135 = tpu.memref_slice %arg6[%dma_wait3A_133, %dma_wait3A_134] : memref<10112x128xf32, #tpu.memory_space<vmem_shared>> -> memref<10112x128xf32, #tpu.memory_space<vmem_shared>>
    tpu.wait_indirect_dma semaphore(%arg12 : memref<!tpu.dma_semaphore, #tpu.memory_space<semaphore_mem>>) src(%arg9 : memref<100x128xf32, #tpu.memory_space<vmem>>) dst(%dma_wait3A_135 : memref<10112x128xf32, #tpu.memory_space<vmem_shared>>)
    %dma_wait3A_136 = arith.constant 0 : i32
    %dma_wait3A_137 = arith.constant 2 : i32
    %dma_wait3A_138 = arith.constant 0 : i32
    %dma_wait3A_139 = tpu.memref_slice %arg8[%dma_wait3A_137, %dma_wait3A_138] : memref<4x100xi32, #tpu.memory_space<vmem>> -> memref<1x100xi32, #tpu.memory_space<vmem>>
    %dma_wait3A_140 = tpu.memref_squeeze %dma_wait3A_139 : memref<1x100xi32, #tpu.memory_space<vmem>> -> memref<100xi32, #tpu.memory_space<vmem>>
    %dma_wait3A_141 = arith.constant 0 : i32
    %dma_wait3A_142 = tpu.memref_slice %arg3[%arg1, %dma_wait3A_136, %dma_wait3A_141] : memref<16x100x100xi32, #tpu.memory_space<hbm>> -> memref<1x1x100xi32, #tpu.memory_space<hbm>>
    %dma_wait3A_143 = tpu.memref_squeeze %dma_wait3A_142 : memref<1x1x100xi32, #tpu.memory_space<hbm>> -> memref<100xi32, #tpu.memory_space<hbm>>
    %dma_wait3A_144 = arith.constant 0 : i32
    %dma_wait3A_145 = tpu.memref_slice %arg8[%dma_wait3A_137, %dma_wait3A_144] : memref<4x100xi32, #tpu.memory_space<vmem>> -> memref<1x100xi32, #tpu.memory_space<vmem>>
    %dma_wait3A_146 = tpu.memref_squeeze %dma_wait3A_145 : memref<1x100xi32, #tpu.memory_space<vmem>> -> memref<100xi32, #tpu.memory_space<vmem>>
    %dma_wait3A_147 = arith.constant 0 : i32
    %dma_wait3A_148 = tpu.memref_slice %arg3[%arg1, %dma_wait3A_136, %dma_wait3A_147] : memref<16x100x100xi32, #tpu.memory_space<hbm>> -> memref<1x1x100xi32, #tpu.memory_space<hbm>>
    %dma_wait3A_149 = tpu.memref_squeeze %dma_wait3A_148 : memref<1x1x100xi32, #tpu.memory_space<hbm>> -> memref<100xi32, #tpu.memory_space<hbm>>
    tpu.wait_dma2 semaphore(%arg16 : memref<!tpu.dma_semaphore, #tpu.memory_space<semaphore_mem>>) src(%dma_wait3A_149 : memref<100xi32, #tpu.memory_space<hbm>>) dst(%dma_wait3A_146 : memref<100xi32, #tpu.memory_space<vmem>>)
    %dma_start3A_150 = arith.constant 2 : i32
    %dma_start3A_151 = arith.constant 0 : i32
    %dma_start3A_152 = tpu.memref_slice %arg7[%dma_start3A_150, %dma_start3A_151] : memref<100x100xi32, #tpu.memory_space<vmem>> -> memref<1x100xi32, #tpu.memory_space<vmem>>
    %dma_start3A_153 = tpu.memref_squeeze %dma_start3A_152 : memref<1x100xi32, #tpu.memory_space<vmem>> -> memref<100xi32, #tpu.memory_space<vmem>>
    %dma_start3A_154 = arith.constant 0 : i32
    %dma_start3A_155 = arith.constant 0 : i32
    %dma_start3A_156 = tpu.memref_slice %arg4[%dma_start3A_154, %dma_start3A_155] : memref<20224x128xf32, #tpu.memory_space<hbm>> -> memref<20224x128xf32, #tpu.memory_space<hbm>>
    tpu.enqueue_indirect_dma source(%dma_start3A_156 : memref<20224x128xf32, #tpu.memory_space<hbm>>) target(%arg9 : memref<100x128xf32, #tpu.memory_space<vmem>>) offsets(%dma_start3A_153 : memref<100xi32, #tpu.memory_space<vmem>>) semaphore(%arg11 : memref<!tpu.dma_semaphore, #tpu.memory_space<semaphore_mem>>)
    %dma_wait3A_157 = arith.constant 2 : i32
    %dma_wait3A_158 = arith.constant 0 : i32
    %dma_wait3A_159 = tpu.memref_slice %arg7[%dma_wait3A_157, %dma_wait3A_158] : memref<100x100xi32, #tpu.memory_space<vmem>> -> memref<1x100xi32, #tpu.memory_space<vmem>>
    %dma_wait3A_160 = tpu.memref_squeeze %dma_wait3A_159 : memref<1x100xi32, #tpu.memory_space<vmem>> -> memref<100xi32, #tpu.memory_space<vmem>>
    %dma_wait3A_161 = arith.constant 0 : i32
    %dma_wait3A_162 = arith.constant 0 : i32
    %dma_wait3A_163 = tpu.memref_slice %arg4[%dma_wait3A_161, %dma_wait3A_162] : memref<20224x128xf32, #tpu.memory_space<hbm>> -> memref<20224x128xf32, #tpu.memory_space<hbm>>
    tpu.wait_indirect_dma semaphore(%arg11 : memref<!tpu.dma_semaphore, #tpu.memory_space<semaphore_mem>>) src(%dma_wait3A_163 : memref<20224x128xf32, #tpu.memory_space<hbm>>) dst(%arg9 : memref<100x128xf32, #tpu.memory_space<vmem>>)
    %dma_start3A_164 = arith.constant 2 : i32
    %dma_start3A_165 = arith.constant 0 : i32
    %dma_start3A_166 = tpu.memref_slice %arg8[%dma_start3A_164, %dma_start3A_165] : memref<4x100xi32, #tpu.memory_space<vmem>> -> memref<1x100xi32, #tpu.memory_space<vmem>>
    %dma_start3A_167 = tpu.memref_squeeze %dma_start3A_166 : memref<1x100xi32, #tpu.memory_space<vmem>> -> memref<100xi32, #tpu.memory_space<vmem>>
    %dma_start3A_168 = arith.constant 0 : i32
    %dma_start3A_169 = arith.constant 0 : i32
    %dma_start3A_170 = tpu.memref_slice %arg6[%dma_start3A_168, %dma_start3A_169] : memref<10112x128xf32, #tpu.memory_space<vmem_shared>> -> memref<10112x128xf32, #tpu.memory_space<vmem_shared>>
    tpu.enqueue_indirect_dma source(%arg9 : memref<100x128xf32, #tpu.memory_space<vmem>>) target(%dma_start3A_170 : memref<10112x128xf32, #tpu.memory_space<vmem_shared>>) offsets(%dma_start3A_167 : memref<100xi32, #tpu.memory_space<vmem>>) semaphore(%arg12 : memref<!tpu.dma_semaphore, #tpu.memory_space<semaphore_mem>>) {add = true}
    %dma_start3A_171 = arith.constant 4 : i32
    %dma_start3A_172 = arith.constant 0 : i32
    %dma_start3A_173 = arith.constant 0 : i32
    %dma_start3A_174 = tpu.memref_slice %arg8[%dma_start3A_172, %dma_start3A_173] : memref<4x100xi32, #tpu.memory_space<vmem>> -> memref<1x100xi32, #tpu.memory_space<vmem>>
    %dma_start3A_175 = tpu.memref_squeeze %dma_start3A_174 : memref<1x100xi32, #tpu.memory_space<vmem>> -> memref<100xi32, #tpu.memory_space<vmem>>
    %dma_start3A_176 = arith.constant 0 : i32
    %dma_start3A_177 = tpu.memref_slice %arg3[%arg1, %dma_start3A_171, %dma_start3A_176] : memref<16x100x100xi32, #tpu.memory_space<hbm>> -> memref<1x1x100xi32, #tpu.memory_space<hbm>>
    %dma_start3A_178 = tpu.memref_squeeze %dma_start3A_177 : memref<1x1x100xi32, #tpu.memory_space<hbm>> -> memref<100xi32, #tpu.memory_space<hbm>>
    %dma_start3A_179 = arith.constant 0 : i32
    %dma_start3A_180 = tpu.memref_slice %arg8[%dma_start3A_172, %dma_start3A_179] : memref<4x100xi32, #tpu.memory_space<vmem>> -> memref<1x100xi32, #tpu.memory_space<vmem>>
    %dma_start3A_181 = tpu.memref_squeeze %dma_start3A_180 : memref<1x100xi32, #tpu.memory_space<vmem>> -> memref<100xi32, #tpu.memory_space<vmem>>
    %dma_start3A_182 = arith.constant 0 : i32
    %dma_start3A_183 = tpu.memref_slice %arg3[%arg1, %dma_start3A_171, %dma_start3A_182] : memref<16x100x100xi32, #tpu.memory_space<hbm>> -> memref<1x1x100xi32, #tpu.memory_space<hbm>>
    %dma_start3A_184 = tpu.memref_squeeze %dma_start3A_183 : memref<1x1x100xi32, #tpu.memory_space<hbm>> -> memref<100xi32, #tpu.memory_space<hbm>>
    tpu.enqueue_dma source(%dma_start3A_184 : memref<100xi32, #tpu.memory_space<hbm>>) target(%dma_start3A_181 : memref<100xi32, #tpu.memory_space<vmem>>) target_semaphore(%arg14 : memref<!tpu.dma_semaphore, #tpu.memory_space<semaphore_mem>>)
    %dma_wait3A_185 = arith.constant 0 : i32
    %dma_wait3A_186 = arith.constant 0 : i32
    %dma_wait3A_187 = tpu.memref_slice %arg8[%dma_wait3A_185, %dma_wait3A_186] : memref<4x100xi32, #tpu.memory_space<vmem>> -> memref<1x100xi32, #tpu.memory_space<vmem>>
    %dma_wait3A_188 = tpu.memref_squeeze %dma_wait3A_187 : memref<1x100xi32, #tpu.memory_space<vmem>> -> memref<100xi32, #tpu.memory_space<vmem>>
    %dma_wait3A_189 = arith.constant 0 : i32
    %dma_wait3A_190 = arith.constant 0 : i32
    %dma_wait3A_191 = tpu.memref_slice %arg6[%dma_wait3A_189, %dma_wait3A_190] : memref<10112x128xf32, #tpu.memory_space<vmem_shared>> -> memref<10112x128xf32, #tpu.memory_space<vmem_shared>>
    tpu.wait_indirect_dma semaphore(%arg13 : memref<!tpu.dma_semaphore, #tpu.memory_space<semaphore_mem>>) src(%arg10 : memref<100x128xf32, #tpu.memory_space<vmem>>) dst(%dma_wait3A_191 : memref<10112x128xf32, #tpu.memory_space<vmem_shared>>)
    %dma_wait3A_192 = arith.constant 0 : i32
    %dma_wait3A_193 = arith.constant 3 : i32
    %dma_wait3A_194 = arith.constant 0 : i32
    %dma_wait3A_195 = tpu.memref_slice %arg8[%dma_wait3A_193, %dma_wait3A_194] : memref<4x100xi32, #tpu.memory_space<vmem>> -> memref<1x100xi32, #tpu.memory_space<vmem>>
    %dma_wait3A_196 = tpu.memref_squeeze %dma_wait3A_195 : memref<1x100xi32, #tpu.memory_space<vmem>> -> memref<100xi32, #tpu.memory_space<vmem>>
    %dma_wait3A_197 = arith.constant 0 : i32
    %dma_wait3A_198 = tpu.memref_slice %arg3[%arg1, %dma_wait3A_192, %dma_wait3A_197] : memref<16x100x100xi32, #tpu.memory_space<hbm>> -> memref<1x1x100xi32, #tpu.memory_space<hbm>>
    %dma_wait3A_199 = tpu.memref_squeeze %dma_wait3A_198 : memref<1x1x100xi32, #tpu.memory_space<hbm>> -> memref<100xi32, #tpu.memory_space<hbm>>
    %dma_wait3A_200 = arith.constant 0 : i32
    %dma_wait3A_201 = tpu.memref_slice %arg8[%dma_wait3A_193, %dma_wait3A_200] : memref<4x100xi32, #tpu.memory_space<vmem>> -> memref<1x100xi32, #tpu.memory_space<vmem>>
    %dma_wait3A_202 = tpu.memref_squeeze %dma_wait3A_201 : memref<1x100xi32, #tpu.memory_space<vmem>> -> memref<100xi32, #tpu.memory_space<vmem>>
    %dma_wait3A_203 = arith.constant 0 : i32
    %dma_wait3A_204 = tpu.memref_slice %arg3[%arg1, %dma_wait3A_192, %dma_wait3A_203] : memref<16x100x100xi32, #tpu.memory_space<hbm>> -> memref<1x1x100xi32, #tpu.memory_space<hbm>>
    %dma_wait3A_205 = tpu.memref_squeeze %dma_wait3A_204 : memref<1x1x100xi32, #tpu.memory_space<hbm>> -> memref<100xi32, #tpu.memory_space<hbm>>
    tpu.wait_dma2 semaphore(%arg17 : memref<!tpu.dma_semaphore, #tpu.memory_space<semaphore_mem>>) src(%dma_wait3A_205 : memref<100xi32, #tpu.memory_space<hbm>>) dst(%dma_wait3A_202 : memref<100xi32, #tpu.memory_space<vmem>>)
    %dma_start3A_206 = arith.constant 3 : i32
    %dma_start3A_207 = arith.constant 0 : i32
    %dma_start3A_208 = tpu.memref_slice %arg7[%dma_start3A_206, %dma_start3A_207] : memref<100x100xi32, #tpu.memory_space<vmem>> -> memref<1x100xi32, #tpu.memory_space<vmem>>
    %dma_start3A_209 = tpu.memref_squeeze %dma_start3A_208 : memref<1x100xi32, #tpu.memory_space<vmem>> -> memref<100xi32, #tpu.memory_space<vmem>>
    %dma_start3A_210 = arith.constant 0 : i32
    %dma_start3A_211 = arith.constant 0 : i32
    %dma_start3A_212 = tpu.memref_slice %arg4[%dma_start3A_210, %dma_start3A_211] : memref<20224x128xf32, #tpu.memory_space<hbm>> -> memref<20224x128xf32, #tpu.memory_space<hbm>>
    tpu.enqueue_indirect_dma source(%dma_start3A_212 : memref<20224x128xf32, #tpu.memory_space<hbm>>) target(%arg10 : memref<100x128xf32, #tpu.memory_space<vmem>>) offsets(%dma_start3A_209 : memref<100xi32, #tpu.memory_space<vmem>>) semaphore(%arg11 : memref<!tpu.dma_semaphore, #tpu.memory_space<semaphore_mem>>)
    %dma_wait3A_213 = arith.constant 3 : i32
    %dma_wait3A_214 = arith.constant 0 : i32
    %dma_wait3A_215 = tpu.memref_slice %arg7[%dma_wait3A_213, %dma_wait3A_214] : memref<100x100xi32, #tpu.memory_space<vmem>> -> memref<1x100xi32, #tpu.memory_space<vmem>>
    %dma_wait3A_216 = tpu.memref_squeeze %dma_wait3A_215 : memref<1x100xi32, #tpu.memory_space<vmem>> -> memref<100xi32, #tpu.memory_space<vmem>>
    %dma_wait3A_217 = arith.constant 0 : i32
    %dma_wait3A_218 = arith.constant 0 : i32
    %dma_wait3A_219 = tpu.memref_slice %arg4[%dma_wait3A_217, %dma_wait3A_218] : memref<20224x128xf32, #tpu.memory_space<hbm>> -> memref<20224x128xf32, #tpu.memory_space<hbm>>
    tpu.wait_indirect_dma semaphore(%arg11 : memref<!tpu.dma_semaphore, #tpu.memory_space<semaphore_mem>>) src(%dma_wait3A_219 : memref<20224x128xf32, #tpu.memory_space<hbm>>) dst(%arg10 : memref<100x128xf32, #tpu.memory_space<vmem>>)
    %dma_start3A_220 = arith.constant 3 : i32
    %dma_start3A_221 = arith.constant 0 : i32
    %dma_start3A_222 = tpu.memref_slice %arg8[%dma_start3A_220, %dma_start3A_221] : memref<4x100xi32, #tpu.memory_space<vmem>> -> memref<1x100xi32, #tpu.memory_space<vmem>>
    %dma_start3A_223 = tpu.memref_squeeze %dma_start3A_222 : memref<1x100xi32, #tpu.memory_space<vmem>> -> memref<100xi32, #tpu.memory_space<vmem>>
    %dma_start3A_224 = arith.constant 0 : i32
    %dma_start3A_225 = arith.constant 0 : i32
    %dma_start3A_226 = tpu.memref_slice %arg6[%dma_start3A_224, %dma_start3A_225] : memref<10112x128xf32, #tpu.memory_space<vmem_shared>> -> memref<10112x128xf32, #tpu.memory_space<vmem_shared>>
    tpu.enqueue_indirect_dma source(%arg10 : memref<100x128xf32, #tpu.memory_space<vmem>>) target(%dma_start3A_226 : memref<10112x128xf32, #tpu.memory_space<vmem_shared>>) offsets(%dma_start3A_223 : memref<100xi32, #tpu.memory_space<vmem>>) semaphore(%arg13 : memref<!tpu.dma_semaphore, #tpu.memory_space<semaphore_mem>>) {add = true}
    %dma_start3A_227 = arith.constant 5 : i32
    %dma_start3A_228 = arith.constant 1 : i32
    %dma_start3A_229 = arith.constant 0 : i32
    %dma_start3A_230 = tpu.memref_slice %arg8[%dma_start3A_228, %dma_start3A_229] : memref<4x100xi32, #tpu.memory_space<vmem>> -> memref<1x100xi32, #tpu.memory_space<vmem>>
    %dma_start3A_231 = tpu.memref_squeeze %dma_start3A_230 : memref<1x100xi32, #tpu.memory_space<vmem>> -> memref<100xi32, #tpu.memory_space<vmem>>
    %dma_start3A_232 = arith.constant 0 : i32
    %dma_start3A_233 = tpu.memref_slice %arg3[%arg1, %dma_start3A_227, %dma_start3A_232] : memref<16x100x100xi32, #tpu.memory_space<hbm>> -> memref<1x1x100xi32, #tpu.memory_space<hbm>>
    %dma_start3A_234 = tpu.memref_squeeze %dma_start3A_233 : memref<1x1x100xi32, #tpu.memory_space<hbm>> -> memref<100xi32, #tpu.memory_space<hbm>>
    %dma_start3A_235 = arith.constant 0 : i32
    %dma_start3A_236 = tpu.memref_slice %arg8[%dma_start3A_228, %dma_start3A_235] : memref<4x100xi32, #tpu.memory_space<vmem>> -> memref<1x100xi32, #tpu.memory_space<vmem>>
    %dma_start3A_237 = tpu.memref_squeeze %dma_start3A_236 : memref<1x100xi32, #tpu.memory_space<vmem>> -> memref<100xi32, #tpu.memory_space<vmem>>
    %dma_start3A_238 = arith.constant 0 : i32
    %dma_start3A_239 = tpu.memref_slice %arg3[%arg1, %dma_start3A_227, %dma_start3A_238] : memref<16x100x100xi32, #tpu.memory_space<hbm>> -> memref<1x1x100xi32, #tpu.memory_space<hbm>>
    %dma_start3A_240 = tpu.memref_squeeze %dma_start3A_239 : memref<1x1x100xi32, #tpu.memory_space<hbm>> -> memref<100xi32, #tpu.memory_space<hbm>>
    tpu.enqueue_dma source(%dma_start3A_240 : memref<100xi32, #tpu.memory_space<hbm>>) target(%dma_start3A_237 : memref<100xi32, #tpu.memory_space<vmem>>) target_semaphore(%arg15 : memref<!tpu.dma_semaphore, #tpu.memory_space<semaphore_mem>>)
    %scan3A = arith.constant 0 : i32
    %scan3A_241 = arith.constant 1 : i32
    %scan3A_242 = arith.constant 24 : i32
    %scan3A_243 = arith.addi %scan3A_241, %scan3A_242 : i32
    %scan3A_244 = arith.constant 1 : i32
    scf.for %scan3A_265 = %scan3A_241 to %scan3A_243 step %scan3A_244  : i32 {
      %mul3A_266 = arith.constant 4 : i32
      %mul3A_267 = arith.muli %scan3A_265, %mul3A_266 : i32
      %dma_wait3A_268 = arith.constant 0 : i32
      %dma_wait3A_269 = arith.constant 0 : i32
      %dma_wait3A_270 = tpu.memref_slice %arg8[%dma_wait3A_268, %dma_wait3A_269] : memref<4x100xi32, #tpu.memory_space<vmem>> -> memref<1x100xi32, #tpu.memory_space<vmem>>
      %dma_wait3A_271 = tpu.memref_squeeze %dma_wait3A_270 : memref<1x100xi32, #tpu.memory_space<vmem>> -> memref<100xi32, #tpu.memory_space<vmem>>
      %dma_wait3A_272 = arith.constant 0 : i32
      %dma_wait3A_273 = arith.constant 0 : i32
      %dma_wait3A_274 = tpu.memref_slice %arg6[%dma_wait3A_272, %dma_wait3A_273] : memref<10112x128xf32, #tpu.memory_space<vmem_shared>> -> memref<10112x128xf32, #tpu.memory_space<vmem_shared>>
      tpu.wait_indirect_dma semaphore(%arg12 : memref<!tpu.dma_semaphore, #tpu.memory_space<semaphore_mem>>) src(%arg9 : memref<100x128xf32, #tpu.memory_space<vmem>>) dst(%dma_wait3A_274 : memref<10112x128xf32, #tpu.memory_space<vmem_shared>>)
      %dma_wait3A_275 = arith.constant 0 : i32
      %dma_wait3A_276 = arith.constant 0 : i32
      %dma_wait3A_277 = arith.constant 0 : i32
      %dma_wait3A_278 = tpu.memref_slice %arg8[%dma_wait3A_276, %dma_wait3A_277] : memref<4x100xi32, #tpu.memory_space<vmem>> -> memref<1x100xi32, #tpu.memory_space<vmem>>
      %dma_wait3A_279 = tpu.memref_squeeze %dma_wait3A_278 : memref<1x100xi32, #tpu.memory_space<vmem>> -> memref<100xi32, #tpu.memory_space<vmem>>
      %dma_wait3A_280 = arith.constant 0 : i32
      %dma_wait3A_281 = tpu.memref_slice %arg3[%arg1, %dma_wait3A_275, %dma_wait3A_280] : memref<16x100x100xi32, #tpu.memory_space<hbm>> -> memref<1x1x100xi32, #tpu.memory_space<hbm>>
      %dma_wait3A_282 = tpu.memref_squeeze %dma_wait3A_281 : memref<1x1x100xi32, #tpu.memory_space<hbm>> -> memref<100xi32, #tpu.memory_space<hbm>>
      %dma_wait3A_283 = arith.constant 0 : i32
      %dma_wait3A_284 = tpu.memref_slice %arg8[%dma_wait3A_276, %dma_wait3A_283] : memref<4x100xi32, #tpu.memory_space<vmem>> -> memref<1x100xi32, #tpu.memory_space<vmem>>
      %dma_wait3A_285 = tpu.memref_squeeze %dma_wait3A_284 : memref<1x100xi32, #tpu.memory_space<vmem>> -> memref<100xi32, #tpu.memory_space<vmem>>
      %dma_wait3A_286 = arith.constant 0 : i32
      %dma_wait3A_287 = tpu.memref_slice %arg3[%arg1, %dma_wait3A_275, %dma_wait3A_286] : memref<16x100x100xi32, #tpu.memory_space<hbm>> -> memref<1x1x100xi32, #tpu.memory_space<hbm>>
      %dma_wait3A_288 = tpu.memref_squeeze %dma_wait3A_287 : memref<1x1x100xi32, #tpu.memory_space<hbm>> -> memref<100xi32, #tpu.memory_space<hbm>>
      tpu.wait_dma2 semaphore(%arg14 : memref<!tpu.dma_semaphore, #tpu.memory_space<semaphore_mem>>) src(%dma_wait3A_288 : memref<100xi32, #tpu.memory_space<hbm>>) dst(%dma_wait3A_285 : memref<100xi32, #tpu.memory_space<vmem>>)
      %dma_start3A_289 = arith.constant 0 : i32
      %dma_start3A_290 = tpu.memref_slice %arg7[%mul3A_267, %dma_start3A_289] : memref<100x100xi32, #tpu.memory_space<vmem>> -> memref<1x100xi32, #tpu.memory_space<vmem>>
      %dma_start3A_291 = tpu.memref_squeeze %dma_start3A_290 : memref<1x100xi32, #tpu.memory_space<vmem>> -> memref<100xi32, #tpu.memory_space<vmem>>
      %dma_start3A_292 = arith.constant 0 : i32
      %dma_start3A_293 = arith.constant 0 : i32
      %dma_start3A_294 = tpu.memref_slice %arg4[%dma_start3A_292, %dma_start3A_293] : memref<20224x128xf32, #tpu.memory_space<hbm>> -> memref<20224x128xf32, #tpu.memory_space<hbm>>
      tpu.enqueue_indirect_dma source(%dma_start3A_294 : memref<20224x128xf32, #tpu.memory_space<hbm>>) target(%arg9 : memref<100x128xf32, #tpu.memory_space<vmem>>) offsets(%dma_start3A_291 : memref<100xi32, #tpu.memory_space<vmem>>) semaphore(%arg11 : memref<!tpu.dma_semaphore, #tpu.memory_space<semaphore_mem>>)
      %dma_wait3A_295 = arith.constant 0 : i32
      %dma_wait3A_296 = tpu.memref_slice %arg7[%mul3A_267, %dma_wait3A_295] : memref<100x100xi32, #tpu.memory_space<vmem>> -> memref<1x100xi32, #tpu.memory_space<vmem>>
      %dma_wait3A_297 = tpu.memref_squeeze %dma_wait3A_296 : memref<1x100xi32, #tpu.memory_space<vmem>> -> memref<100xi32, #tpu.memory_space<vmem>>
      %dma_wait3A_298 = arith.constant 0 : i32
      %dma_wait3A_299 = arith.constant 0 : i32
      %dma_wait3A_300 = tpu.memref_slice %arg4[%dma_wait3A_298, %dma_wait3A_299] : memref<20224x128xf32, #tpu.memory_space<hbm>> -> memref<20224x128xf32, #tpu.memory_space<hbm>>
      tpu.wait_indirect_dma semaphore(%arg11 : memref<!tpu.dma_semaphore, #tpu.memory_space<semaphore_mem>>) src(%dma_wait3A_300 : memref<20224x128xf32, #tpu.memory_space<hbm>>) dst(%arg9 : memref<100x128xf32, #tpu.memory_space<vmem>>)
      %dma_start3A_301 = arith.constant 0 : i32
      %dma_start3A_302 = arith.constant 0 : i32
      %dma_start3A_303 = tpu.memref_slice %arg8[%dma_start3A_301, %dma_start3A_302] : memref<4x100xi32, #tpu.memory_space<vmem>> -> memref<1x100xi32, #tpu.memory_space<vmem>>
      %dma_start3A_304 = tpu.memref_squeeze %dma_start3A_303 : memref<1x100xi32, #tpu.memory_space<vmem>> -> memref<100xi32, #tpu.memory_space<vmem>>
      %dma_start3A_305 = arith.constant 0 : i32
      %dma_start3A_306 = arith.constant 0 : i32
      %dma_start3A_307 = tpu.memref_slice %arg6[%dma_start3A_305, %dma_start3A_306] : memref<10112x128xf32, #tpu.memory_space<vmem_shared>> -> memref<10112x128xf32, #tpu.memory_space<vmem_shared>>
      tpu.enqueue_indirect_dma source(%arg9 : memref<100x128xf32, #tpu.memory_space<vmem>>) target(%dma_start3A_307 : memref<10112x128xf32, #tpu.memory_space<vmem_shared>>) offsets(%dma_start3A_304 : memref<100xi32, #tpu.memory_space<vmem>>) semaphore(%arg12 : memref<!tpu.dma_semaphore, #tpu.memory_space<semaphore_mem>>) {add = true}
      %add3A_308 = arith.constant 2 : i32
      %add3A_309 = arith.addi %mul3A_267, %add3A_308 : i32
      %dma_start3A_310 = arith.constant 2 : i32
      %dma_start3A_311 = arith.constant 0 : i32
      %dma_start3A_312 = tpu.memref_slice %arg8[%dma_start3A_310, %dma_start3A_311] : memref<4x100xi32, #tpu.memory_space<vmem>> -> memref<1x100xi32, #tpu.memory_space<vmem>>
      %dma_start3A_313 = tpu.memref_squeeze %dma_start3A_312 : memref<1x100xi32, #tpu.memory_space<vmem>> -> memref<100xi32, #tpu.memory_space<vmem>>
      %dma_start3A_314 = arith.constant 0 : i32
      %dma_start3A_315 = tpu.memref_slice %arg3[%arg1, %add3A_309, %dma_start3A_314] : memref<16x100x100xi32, #tpu.memory_space<hbm>> -> memref<1x1x100xi32, #tpu.memory_space<hbm>>
      %dma_start3A_316 = tpu.memref_squeeze %dma_start3A_315 : memref<1x1x100xi32, #tpu.memory_space<hbm>> -> memref<100xi32, #tpu.memory_space<hbm>>
      %dma_start3A_317 = arith.constant 0 : i32
      %dma_start3A_318 = tpu.memref_slice %arg8[%dma_start3A_310, %dma_start3A_317] : memref<4x100xi32, #tpu.memory_space<vmem>> -> memref<1x100xi32, #tpu.memory_space<vmem>>
      %dma_start3A_319 = tpu.memref_squeeze %dma_start3A_318 : memref<1x100xi32, #tpu.memory_space<vmem>> -> memref<100xi32, #tpu.memory_space<vmem>>
      %dma_start3A_320 = arith.constant 0 : i32
      %dma_start3A_321 = tpu.memref_slice %arg3[%arg1, %add3A_309, %dma_start3A_320] : memref<16x100x100xi32, #tpu.memory_space<hbm>> -> memref<1x1x100xi32, #tpu.memory_space<hbm>>
      %dma_start3A_322 = tpu.memref_squeeze %dma_start3A_321 : memref<1x1x100xi32, #tpu.memory_space<hbm>> -> memref<100xi32, #tpu.memory_space<hbm>>
      tpu.enqueue_dma source(%dma_start3A_322 : memref<100xi32, #tpu.memory_space<hbm>>) target(%dma_start3A_319 : memref<100xi32, #tpu.memory_space<vmem>>) target_semaphore(%arg16 : memref<!tpu.dma_semaphore, #tpu.memory_space<semaphore_mem>>)
      %dma_wait3A_323 = arith.constant 0 : i32
      %dma_wait3A_324 = arith.constant 0 : i32
      %dma_wait3A_325 = tpu.memref_slice %arg8[%dma_wait3A_323, %dma_wait3A_324] : memref<4x100xi32, #tpu.memory_space<vmem>> -> memref<1x100xi32, #tpu.memory_space<vmem>>
      %dma_wait3A_326 = tpu.memref_squeeze %dma_wait3A_325 : memref<1x100xi32, #tpu.memory_space<vmem>> -> memref<100xi32, #tpu.memory_space<vmem>>
      %dma_wait3A_327 = arith.constant 0 : i32
      %dma_wait3A_328 = arith.constant 0 : i32
      %dma_wait3A_329 = tpu.memref_slice %arg6[%dma_wait3A_327, %dma_wait3A_328] : memref<10112x128xf32, #tpu.memory_space<vmem_shared>> -> memref<10112x128xf32, #tpu.memory_space<vmem_shared>>
      tpu.wait_indirect_dma semaphore(%arg13 : memref<!tpu.dma_semaphore, #tpu.memory_space<semaphore_mem>>) src(%arg10 : memref<100x128xf32, #tpu.memory_space<vmem>>) dst(%dma_wait3A_329 : memref<10112x128xf32, #tpu.memory_space<vmem_shared>>)
      %dma_wait3A_330 = arith.constant 0 : i32
      %dma_wait3A_331 = arith.constant 1 : i32
      %dma_wait3A_332 = arith.constant 0 : i32
      %dma_wait3A_333 = tpu.memref_slice %arg8[%dma_wait3A_331, %dma_wait3A_332] : memref<4x100xi32, #tpu.memory_space<vmem>> -> memref<1x100xi32, #tpu.memory_space<vmem>>
      %dma_wait3A_334 = tpu.memref_squeeze %dma_wait3A_333 : memref<1x100xi32, #tpu.memory_space<vmem>> -> memref<100xi32, #tpu.memory_space<vmem>>
      %dma_wait3A_335 = arith.constant 0 : i32
      %dma_wait3A_336 = tpu.memref_slice %arg3[%arg1, %dma_wait3A_330, %dma_wait3A_335] : memref<16x100x100xi32, #tpu.memory_space<hbm>> -> memref<1x1x100xi32, #tpu.memory_space<hbm>>
      %dma_wait3A_337 = tpu.memref_squeeze %dma_wait3A_336 : memref<1x1x100xi32, #tpu.memory_space<hbm>> -> memref<100xi32, #tpu.memory_space<hbm>>
      %dma_wait3A_338 = arith.constant 0 : i32
      %dma_wait3A_339 = tpu.memref_slice %arg8[%dma_wait3A_331, %dma_wait3A_338] : memref<4x100xi32, #tpu.memory_space<vmem>> -> memref<1x100xi32, #tpu.memory_space<vmem>>
      %dma_wait3A_340 = tpu.memref_squeeze %dma_wait3A_339 : memref<1x100xi32, #tpu.memory_space<vmem>> -> memref<100xi32, #tpu.memory_space<vmem>>
      %dma_wait3A_341 = arith.constant 0 : i32
      %dma_wait3A_342 = tpu.memref_slice %arg3[%arg1, %dma_wait3A_330, %dma_wait3A_341] : memref<16x100x100xi32, #tpu.memory_space<hbm>> -> memref<1x1x100xi32, #tpu.memory_space<hbm>>
      %dma_wait3A_343 = tpu.memref_squeeze %dma_wait3A_342 : memref<1x1x100xi32, #tpu.memory_space<hbm>> -> memref<100xi32, #tpu.memory_space<hbm>>
      tpu.wait_dma2 semaphore(%arg15 : memref<!tpu.dma_semaphore, #tpu.memory_space<semaphore_mem>>) src(%dma_wait3A_343 : memref<100xi32, #tpu.memory_space<hbm>>) dst(%dma_wait3A_340 : memref<100xi32, #tpu.memory_space<vmem>>)
      %add3A_344 = arith.constant 1 : i32
      %add3A_345 = arith.addi %mul3A_267, %add3A_344 : i32
      %dma_start3A_346 = arith.constant 0 : i32
      %dma_start3A_347 = tpu.memref_slice %arg7[%add3A_345, %dma_start3A_346] : memref<100x100xi32, #tpu.memory_space<vmem>> -> memref<1x100xi32, #tpu.memory_space<vmem>>
      %dma_start3A_348 = tpu.memref_squeeze %dma_start3A_347 : memref<1x100xi32, #tpu.memory_space<vmem>> -> memref<100xi32, #tpu.memory_space<vmem>>
      %dma_start3A_349 = arith.constant 0 : i32
      %dma_start3A_350 = arith.constant 0 : i32
      %dma_start3A_351 = tpu.memref_slice %arg4[%dma_start3A_349, %dma_start3A_350] : memref<20224x128xf32, #tpu.memory_space<hbm>> -> memref<20224x128xf32, #tpu.memory_space<hbm>>
      tpu.enqueue_indirect_dma source(%dma_start3A_351 : memref<20224x128xf32, #tpu.memory_space<hbm>>) target(%arg10 : memref<100x128xf32, #tpu.memory_space<vmem>>) offsets(%dma_start3A_348 : memref<100xi32, #tpu.memory_space<vmem>>) semaphore(%arg11 : memref<!tpu.dma_semaphore, #tpu.memory_space<semaphore_mem>>)
      %dma_wait3A_352 = arith.constant 0 : i32
      %dma_wait3A_353 = tpu.memref_slice %arg7[%add3A_345, %dma_wait3A_352] : memref<100x100xi32, #tpu.memory_space<vmem>> -> memref<1x100xi32, #tpu.memory_space<vmem>>
      %dma_wait3A_354 = tpu.memref_squeeze %dma_wait3A_353 : memref<1x100xi32, #tpu.memory_space<vmem>> -> memref<100xi32, #tpu.memory_space<vmem>>
      %dma_wait3A_355 = arith.constant 0 : i32
      %dma_wait3A_356 = arith.constant 0 : i32
      %dma_wait3A_357 = tpu.memref_slice %arg4[%dma_wait3A_355, %dma_wait3A_356] : memref<20224x128xf32, #tpu.memory_space<hbm>> -> memref<20224x128xf32, #tpu.memory_space<hbm>>
      tpu.wait_indirect_dma semaphore(%arg11 : memref<!tpu.dma_semaphore, #tpu.memory_space<semaphore_mem>>) src(%dma_wait3A_357 : memref<20224x128xf32, #tpu.memory_space<hbm>>) dst(%arg10 : memref<100x128xf32, #tpu.memory_space<vmem>>)
      %dma_start3A_358 = arith.constant 1 : i32
      %dma_start3A_359 = arith.constant 0 : i32
      %dma_start3A_360 = tpu.memref_slice %arg8[%dma_start3A_358, %dma_start3A_359] : memref<4x100xi32, #tpu.memory_space<vmem>> -> memref<1x100xi32, #tpu.memory_space<vmem>>
      %dma_start3A_361 = tpu.memref_squeeze %dma_start3A_360 : memref<1x100xi32, #tpu.memory_space<vmem>> -> memref<100xi32, #tpu.memory_space<vmem>>
      %dma_start3A_362 = arith.constant 0 : i32
      %dma_start3A_363 = arith.constant 0 : i32
      %dma_start3A_364 = tpu.memref_slice %arg6[%dma_start3A_362, %dma_start3A_363] : memref<10112x128xf32, #tpu.memory_space<vmem_shared>> -> memref<10112x128xf32, #tpu.memory_space<vmem_shared>>
      tpu.enqueue_indirect_dma source(%arg10 : memref<100x128xf32, #tpu.memory_space<vmem>>) target(%dma_start3A_364 : memref<10112x128xf32, #tpu.memory_space<vmem_shared>>) offsets(%dma_start3A_361 : memref<100xi32, #tpu.memory_space<vmem>>) semaphore(%arg13 : memref<!tpu.dma_semaphore, #tpu.memory_space<semaphore_mem>>) {add = true}
      %add3A_365 = arith.constant 3 : i32
      %add3A_366 = arith.addi %mul3A_267, %add3A_365 : i32
      %dma_start3A_367 = arith.constant 3 : i32
      %dma_start3A_368 = arith.constant 0 : i32
      %dma_start3A_369 = tpu.memref_slice %arg8[%dma_start3A_367, %dma_start3A_368] : memref<4x100xi32, #tpu.memory_space<vmem>> -> memref<1x100xi32, #tpu.memory_space<vmem>>
      %dma_start3A_370 = tpu.memref_squeeze %dma_start3A_369 : memref<1x100xi32, #tpu.memory_space<vmem>> -> memref<100xi32, #tpu.memory_space<vmem>>
      %dma_start3A_371 = arith.constant 0 : i32
      %dma_start3A_372 = tpu.memref_slice %arg3[%arg1, %add3A_366, %dma_start3A_371] : memref<16x100x100xi32, #tpu.memory_space<hbm>> -> memref<1x1x100xi32, #tpu.memory_space<hbm>>
      %dma_start3A_373 = tpu.memref_squeeze %dma_start3A_372 : memref<1x1x100xi32, #tpu.memory_space<hbm>> -> memref<100xi32, #tpu.memory_space<hbm>>
      %dma_start3A_374 = arith.constant 0 : i32
      %dma_start3A_375 = tpu.memref_slice %arg8[%dma_start3A_367, %dma_start3A_374] : memref<4x100xi32, #tpu.memory_space<vmem>> -> memref<1x100xi32, #tpu.memory_space<vmem>>
      %dma_start3A_376 = tpu.memref_squeeze %dma_start3A_375 : memref<1x100xi32, #tpu.memory_space<vmem>> -> memref<100xi32, #tpu.memory_space<vmem>>
      %dma_start3A_377 = arith.constant 0 : i32
      %dma_start3A_378 = tpu.memref_slice %arg3[%arg1, %add3A_366, %dma_start3A_377] : memref<16x100x100xi32, #tpu.memory_space<hbm>> -> memref<1x1x100xi32, #tpu.memory_space<hbm>>
      %dma_start3A_379 = tpu.memref_squeeze %dma_start3A_378 : memref<1x1x100xi32, #tpu.memory_space<hbm>> -> memref<100xi32, #tpu.memory_space<hbm>>
      tpu.enqueue_dma source(%dma_start3A_379 : memref<100xi32, #tpu.memory_space<hbm>>) target(%dma_start3A_376 : memref<100xi32, #tpu.memory_space<vmem>>) target_semaphore(%arg17 : memref<!tpu.dma_semaphore, #tpu.memory_space<semaphore_mem>>)
      %dma_wait3A_380 = arith.constant 0 : i32
      %dma_wait3A_381 = arith.constant 0 : i32
      %dma_wait3A_382 = tpu.memref_slice %arg8[%dma_wait3A_380, %dma_wait3A_381] : memref<4x100xi32, #tpu.memory_space<vmem>> -> memref<1x100xi32, #tpu.memory_space<vmem>>
      %dma_wait3A_383 = tpu.memref_squeeze %dma_wait3A_382 : memref<1x100xi32, #tpu.memory_space<vmem>> -> memref<100xi32, #tpu.memory_space<vmem>>
      %dma_wait3A_384 = arith.constant 0 : i32
      %dma_wait3A_385 = arith.constant 0 : i32
      %dma_wait3A_386 = tpu.memref_slice %arg6[%dma_wait3A_384, %dma_wait3A_385] : memref<10112x128xf32, #tpu.memory_space<vmem_shared>> -> memref<10112x128xf32, #tpu.memory_space<vmem_shared>>
      tpu.wait_indirect_dma semaphore(%arg12 : memref<!tpu.dma_semaphore, #tpu.memory_space<semaphore_mem>>) src(%arg9 : memref<100x128xf32, #tpu.memory_space<vmem>>) dst(%dma_wait3A_386 : memref<10112x128xf32, #tpu.memory_space<vmem_shared>>)
      %dma_wait3A_387 = arith.constant 0 : i32
      %dma_wait3A_388 = arith.constant 2 : i32
      %dma_wait3A_389 = arith.constant 0 : i32
      %dma_wait3A_390 = tpu.memref_slice %arg8[%dma_wait3A_388, %dma_wait3A_389] : memref<4x100xi32, #tpu.memory_space<vmem>> -> memref<1x100xi32, #tpu.memory_space<vmem>>
      %dma_wait3A_391 = tpu.memref_squeeze %dma_wait3A_390 : memref<1x100xi32, #tpu.memory_space<vmem>> -> memref<100xi32, #tpu.memory_space<vmem>>
      %dma_wait3A_392 = arith.constant 0 : i32
      %dma_wait3A_393 = tpu.memref_slice %arg3[%arg1, %dma_wait3A_387, %dma_wait3A_392] : memref<16x100x100xi32, #tpu.memory_space<hbm>> -> memref<1x1x100xi32, #tpu.memory_space<hbm>>
      %dma_wait3A_394 = tpu.memref_squeeze %dma_wait3A_393 : memref<1x1x100xi32, #tpu.memory_space<hbm>> -> memref<100xi32, #tpu.memory_space<hbm>>
      %dma_wait3A_395 = arith.constant 0 : i32
      %dma_wait3A_396 = tpu.memref_slice %arg8[%dma_wait3A_388, %dma_wait3A_395] : memref<4x100xi32, #tpu.memory_space<vmem>> -> memref<1x100xi32, #tpu.memory_space<vmem>>
      %dma_wait3A_397 = tpu.memref_squeeze %dma_wait3A_396 : memref<1x100xi32, #tpu.memory_space<vmem>> -> memref<100xi32, #tpu.memory_space<vmem>>
      %dma_wait3A_398 = arith.constant 0 : i32
      %dma_wait3A_399 = tpu.memref_slice %arg3[%arg1, %dma_wait3A_387, %dma_wait3A_398] : memref<16x100x100xi32, #tpu.memory_space<hbm>> -> memref<1x1x100xi32, #tpu.memory_space<hbm>>
      %dma_wait3A_400 = tpu.memref_squeeze %dma_wait3A_399 : memref<1x1x100xi32, #tpu.memory_space<hbm>> -> memref<100xi32, #tpu.memory_space<hbm>>
      tpu.wait_dma2 semaphore(%arg16 : memref<!tpu.dma_semaphore, #tpu.memory_space<semaphore_mem>>) src(%dma_wait3A_400 : memref<100xi32, #tpu.memory_space<hbm>>) dst(%dma_wait3A_397 : memref<100xi32, #tpu.memory_space<vmem>>)
      %add3A_401 = arith.constant 2 : i32
      %add3A_402 = arith.addi %mul3A_267, %add3A_401 : i32
      %dma_start3A_403 = arith.constant 0 : i32
      %dma_start3A_404 = tpu.memref_slice %arg7[%add3A_402, %dma_start3A_403] : memref<100x100xi32, #tpu.memory_space<vmem>> -> memref<1x100xi32, #tpu.memory_space<vmem>>
      %dma_start3A_405 = tpu.memref_squeeze %dma_start3A_404 : memref<1x100xi32, #tpu.memory_space<vmem>> -> memref<100xi32, #tpu.memory_space<vmem>>
      %dma_start3A_406 = arith.constant 0 : i32
      %dma_start3A_407 = arith.constant 0 : i32
      %dma_start3A_408 = tpu.memref_slice %arg4[%dma_start3A_406, %dma_start3A_407] : memref<20224x128xf32, #tpu.memory_space<hbm>> -> memref<20224x128xf32, #tpu.memory_space<hbm>>
      tpu.enqueue_indirect_dma source(%dma_start3A_408 : memref<20224x128xf32, #tpu.memory_space<hbm>>) target(%arg9 : memref<100x128xf32, #tpu.memory_space<vmem>>) offsets(%dma_start3A_405 : memref<100xi32, #tpu.memory_space<vmem>>) semaphore(%arg11 : memref<!tpu.dma_semaphore, #tpu.memory_space<semaphore_mem>>)
      %dma_wait3A_409 = arith.constant 0 : i32
      %dma_wait3A_410 = tpu.memref_slice %arg7[%add3A_402, %dma_wait3A_409] : memref<100x100xi32, #tpu.memory_space<vmem>> -> memref<1x100xi32, #tpu.memory_space<vmem>>
      %dma_wait3A_411 = tpu.memref_squeeze %dma_wait3A_410 : memref<1x100xi32, #tpu.memory_space<vmem>> -> memref<100xi32, #tpu.memory_space<vmem>>
      %dma_wait3A_412 = arith.constant 0 : i32
      %dma_wait3A_413 = arith.constant 0 : i32
      %dma_wait3A_414 = tpu.memref_slice %arg4[%dma_wait3A_412, %dma_wait3A_413] : memref<20224x128xf32, #tpu.memory_space<hbm>> -> memref<20224x128xf32, #tpu.memory_space<hbm>>
      tpu.wait_indirect_dma semaphore(%arg11 : memref<!tpu.dma_semaphore, #tpu.memory_space<semaphore_mem>>) src(%dma_wait3A_414 : memref<20224x128xf32, #tpu.memory_space<hbm>>) dst(%arg9 : memref<100x128xf32, #tpu.memory_space<vmem>>)
      %dma_start3A_415 = arith.constant 2 : i32
      %dma_start3A_416 = arith.constant 0 : i32
      %dma_start3A_417 = tpu.memref_slice %arg8[%dma_start3A_415, %dma_start3A_416] : memref<4x100xi32, #tpu.memory_space<vmem>> -> memref<1x100xi32, #tpu.memory_space<vmem>>
      %dma_start3A_418 = tpu.memref_squeeze %dma_start3A_417 : memref<1x100xi32, #tpu.memory_space<vmem>> -> memref<100xi32, #tpu.memory_space<vmem>>
      %dma_start3A_419 = arith.constant 0 : i32
      %dma_start3A_420 = arith.constant 0 : i32
      %dma_start3A_421 = tpu.memref_slice %arg6[%dma_start3A_419, %dma_start3A_420] : memref<10112x128xf32, #tpu.memory_space<vmem_shared>> -> memref<10112x128xf32, #tpu.memory_space<vmem_shared>>
      tpu.enqueue_indirect_dma source(%arg9 : memref<100x128xf32, #tpu.memory_space<vmem>>) target(%dma_start3A_421 : memref<10112x128xf32, #tpu.memory_space<vmem_shared>>) offsets(%dma_start3A_418 : memref<100xi32, #tpu.memory_space<vmem>>) semaphore(%arg12 : memref<!tpu.dma_semaphore, #tpu.memory_space<semaphore_mem>>) {add = true}
      %add3A_422 = arith.constant 4 : i32
      %add3A_423 = arith.addi %mul3A_267, %add3A_422 : i32
      %lt3A = arith.constant 100 : i32
      %lt3A_424 = arith.cmpi slt, %add3A_423, %lt3A : i32
      %convert_element_type3A = arith.extui %lt3A_424 : i1 to i32
      %cond3A = arith.constant 0 : i32
      %cond3A_425 = arith.cmpi ne, %convert_element_type3A, %cond3A : i32
      scf.if %cond3A_425 {
        %add3A_475 = arith.constant 4 : i32
        %add3A_476 = arith.addi %mul3A_267, %add3A_475 : i32
        %dma_start3A_477 = arith.constant 0 : i32
        %dma_start3A_478 = arith.constant 0 : i32
        %dma_start3A_479 = tpu.memref_slice %arg8[%dma_start3A_477, %dma_start3A_478] : memref<4x100xi32, #tpu.memory_space<vmem>> -> memref<1x100xi32, #tpu.memory_space<vmem>>
        %dma_start3A_480 = tpu.memref_squeeze %dma_start3A_479 : memref<1x100xi32, #tpu.memory_space<vmem>> -> memref<100xi32, #tpu.memory_space<vmem>>
        %dma_start3A_481 = arith.constant 0 : i32
        %dma_start3A_482 = tpu.memref_slice %arg3[%arg1, %add3A_476, %dma_start3A_481] : memref<16x100x100xi32, #tpu.memory_space<hbm>> -> memref<1x1x100xi32, #tpu.memory_space<hbm>>
        %dma_start3A_483 = tpu.memref_squeeze %dma_start3A_482 : memref<1x1x100xi32, #tpu.memory_space<hbm>> -> memref<100xi32, #tpu.memory_space<hbm>>
        %dma_start3A_484 = arith.constant 0 : i32
        %dma_start3A_485 = tpu.memref_slice %arg8[%dma_start3A_477, %dma_start3A_484] : memref<4x100xi32, #tpu.memory_space<vmem>> -> memref<1x100xi32, #tpu.memory_space<vmem>>
        %dma_start3A_486 = tpu.memref_squeeze %dma_start3A_485 : memref<1x100xi32, #tpu.memory_space<vmem>> -> memref<100xi32, #tpu.memory_space<vmem>>
        %dma_start3A_487 = arith.constant 0 : i32
        %dma_start3A_488 = tpu.memref_slice %arg3[%arg1, %add3A_476, %dma_start3A_487] : memref<16x100x100xi32, #tpu.memory_space<hbm>> -> memref<1x1x100xi32, #tpu.memory_space<hbm>>
        %dma_start3A_489 = tpu.memref_squeeze %dma_start3A_488 : memref<1x1x100xi32, #tpu.memory_space<hbm>> -> memref<100xi32, #tpu.memory_space<hbm>>
        tpu.enqueue_dma source(%dma_start3A_489 : memref<100xi32, #tpu.memory_space<hbm>>) target(%dma_start3A_486 : memref<100xi32, #tpu.memory_space<vmem>>) target_semaphore(%arg14 : memref<!tpu.dma_semaphore, #tpu.memory_space<semaphore_mem>>)
      } else {
      }
      %dma_wait3A_426 = arith.constant 0 : i32
      %dma_wait3A_427 = arith.constant 0 : i32
      %dma_wait3A_428 = tpu.memref_slice %arg8[%dma_wait3A_426, %dma_wait3A_427] : memref<4x100xi32, #tpu.memory_space<vmem>> -> memref<1x100xi32, #tpu.memory_space<vmem>>
      %dma_wait3A_429 = tpu.memref_squeeze %dma_wait3A_428 : memref<1x100xi32, #tpu.memory_space<vmem>> -> memref<100xi32, #tpu.memory_space<vmem>>
      %dma_wait3A_430 = arith.constant 0 : i32
      %dma_wait3A_431 = arith.constant 0 : i32
      %dma_wait3A_432 = tpu.memref_slice %arg6[%dma_wait3A_430, %dma_wait3A_431] : memref<10112x128xf32, #tpu.memory_space<vmem_shared>> -> memref<10112x128xf32, #tpu.memory_space<vmem_shared>>
      tpu.wait_indirect_dma semaphore(%arg13 : memref<!tpu.dma_semaphore, #tpu.memory_space<semaphore_mem>>) src(%arg10 : memref<100x128xf32, #tpu.memory_space<vmem>>) dst(%dma_wait3A_432 : memref<10112x128xf32, #tpu.memory_space<vmem_shared>>)
      %dma_wait3A_433 = arith.constant 0 : i32
      %dma_wait3A_434 = arith.constant 3 : i32
      %dma_wait3A_435 = arith.constant 0 : i32
      %dma_wait3A_436 = tpu.memref_slice %arg8[%dma_wait3A_434, %dma_wait3A_435] : memref<4x100xi32, #tpu.memory_space<vmem>> -> memref<1x100xi32, #tpu.memory_space<vmem>>
      %dma_wait3A_437 = tpu.memref_squeeze %dma_wait3A_436 : memref<1x100xi32, #tpu.memory_space<vmem>> -> memref<100xi32, #tpu.memory_space<vmem>>
      %dma_wait3A_438 = arith.constant 0 : i32
      %dma_wait3A_439 = tpu.memref_slice %arg3[%arg1, %dma_wait3A_433, %dma_wait3A_438] : memref<16x100x100xi32, #tpu.memory_space<hbm>> -> memref<1x1x100xi32, #tpu.memory_space<hbm>>
      %dma_wait3A_440 = tpu.memref_squeeze %dma_wait3A_439 : memref<1x1x100xi32, #tpu.memory_space<hbm>> -> memref<100xi32, #tpu.memory_space<hbm>>
      %dma_wait3A_441 = arith.constant 0 : i32
      %dma_wait3A_442 = tpu.memref_slice %arg8[%dma_wait3A_434, %dma_wait3A_441] : memref<4x100xi32, #tpu.memory_space<vmem>> -> memref<1x100xi32, #tpu.memory_space<vmem>>
      %dma_wait3A_443 = tpu.memref_squeeze %dma_wait3A_442 : memref<1x100xi32, #tpu.memory_space<vmem>> -> memref<100xi32, #tpu.memory_space<vmem>>
      %dma_wait3A_444 = arith.constant 0 : i32
      %dma_wait3A_445 = tpu.memref_slice %arg3[%arg1, %dma_wait3A_433, %dma_wait3A_444] : memref<16x100x100xi32, #tpu.memory_space<hbm>> -> memref<1x1x100xi32, #tpu.memory_space<hbm>>
      %dma_wait3A_446 = tpu.memref_squeeze %dma_wait3A_445 : memref<1x1x100xi32, #tpu.memory_space<hbm>> -> memref<100xi32, #tpu.memory_space<hbm>>
      tpu.wait_dma2 semaphore(%arg17 : memref<!tpu.dma_semaphore, #tpu.memory_space<semaphore_mem>>) src(%dma_wait3A_446 : memref<100xi32, #tpu.memory_space<hbm>>) dst(%dma_wait3A_443 : memref<100xi32, #tpu.memory_space<vmem>>)
      %add3A_447 = arith.constant 3 : i32
      %add3A_448 = arith.addi %mul3A_267, %add3A_447 : i32
      %dma_start3A_449 = arith.constant 0 : i32
      %dma_start3A_450 = tpu.memref_slice %arg7[%add3A_448, %dma_start3A_449] : memref<100x100xi32, #tpu.memory_space<vmem>> -> memref<1x100xi32, #tpu.memory_space<vmem>>
      %dma_start3A_451 = tpu.memref_squeeze %dma_start3A_450 : memref<1x100xi32, #tpu.memory_space<vmem>> -> memref<100xi32, #tpu.memory_space<vmem>>
      %dma_start3A_452 = arith.constant 0 : i32
      %dma_start3A_453 = arith.constant 0 : i32
      %dma_start3A_454 = tpu.memref_slice %arg4[%dma_start3A_452, %dma_start3A_453] : memref<20224x128xf32, #tpu.memory_space<hbm>> -> memref<20224x128xf32, #tpu.memory_space<hbm>>
      tpu.enqueue_indirect_dma source(%dma_start3A_454 : memref<20224x128xf32, #tpu.memory_space<hbm>>) target(%arg10 : memref<100x128xf32, #tpu.memory_space<vmem>>) offsets(%dma_start3A_451 : memref<100xi32, #tpu.memory_space<vmem>>) semaphore(%arg11 : memref<!tpu.dma_semaphore, #tpu.memory_space<semaphore_mem>>)
      %dma_wait3A_455 = arith.constant 0 : i32
      %dma_wait3A_456 = tpu.memref_slice %arg7[%add3A_448, %dma_wait3A_455] : memref<100x100xi32, #tpu.memory_space<vmem>> -> memref<1x100xi32, #tpu.memory_space<vmem>>
      %dma_wait3A_457 = tpu.memref_squeeze %dma_wait3A_456 : memref<1x100xi32, #tpu.memory_space<vmem>> -> memref<100xi32, #tpu.memory_space<vmem>>
      %dma_wait3A_458 = arith.constant 0 : i32
      %dma_wait3A_459 = arith.constant 0 : i32
      %dma_wait3A_460 = tpu.memref_slice %arg4[%dma_wait3A_458, %dma_wait3A_459] : memref<20224x128xf32, #tpu.memory_space<hbm>> -> memref<20224x128xf32, #tpu.memory_space<hbm>>
      tpu.wait_indirect_dma semaphore(%arg11 : memref<!tpu.dma_semaphore, #tpu.memory_space<semaphore_mem>>) src(%dma_wait3A_460 : memref<20224x128xf32, #tpu.memory_space<hbm>>) dst(%arg10 : memref<100x128xf32, #tpu.memory_space<vmem>>)
      %dma_start3A_461 = arith.constant 3 : i32
      %dma_start3A_462 = arith.constant 0 : i32
      %dma_start3A_463 = tpu.memref_slice %arg8[%dma_start3A_461, %dma_start3A_462] : memref<4x100xi32, #tpu.memory_space<vmem>> -> memref<1x100xi32, #tpu.memory_space<vmem>>
      %dma_start3A_464 = tpu.memref_squeeze %dma_start3A_463 : memref<1x100xi32, #tpu.memory_space<vmem>> -> memref<100xi32, #tpu.memory_space<vmem>>
      %dma_start3A_465 = arith.constant 0 : i32
      %dma_start3A_466 = arith.constant 0 : i32
      %dma_start3A_467 = tpu.memref_slice %arg6[%dma_start3A_465, %dma_start3A_466] : memref<10112x128xf32, #tpu.memory_space<vmem_shared>> -> memref<10112x128xf32, #tpu.memory_space<vmem_shared>>
      tpu.enqueue_indirect_dma source(%arg10 : memref<100x128xf32, #tpu.memory_space<vmem>>) target(%dma_start3A_467 : memref<10112x128xf32, #tpu.memory_space<vmem_shared>>) offsets(%dma_start3A_464 : memref<100xi32, #tpu.memory_space<vmem>>) semaphore(%arg13 : memref<!tpu.dma_semaphore, #tpu.memory_space<semaphore_mem>>) {add = true}
      %add3A_468 = arith.constant 5 : i32
      %add3A_469 = arith.addi %mul3A_267, %add3A_468 : i32
      %lt3A_470 = arith.constant 100 : i32
      %lt3A_471 = arith.cmpi slt, %add3A_469, %lt3A_470 : i32
      %convert_element_type3A_472 = arith.extui %lt3A_471 : i1 to i32
      %cond3A_473 = arith.constant 0 : i32
      %cond3A_474 = arith.cmpi ne, %convert_element_type3A_472, %cond3A_473 : i32
      scf.if %cond3A_474 {
        %add3A_475 = arith.constant 5 : i32
        %add3A_476 = arith.addi %mul3A_267, %add3A_475 : i32
        %dma_start3A_477 = arith.constant 1 : i32
        %dma_start3A_478 = arith.constant 0 : i32
        %dma_start3A_479 = tpu.memref_slice %arg8[%dma_start3A_477, %dma_start3A_478] : memref<4x100xi32, #tpu.memory_space<vmem>> -> memref<1x100xi32, #tpu.memory_space<vmem>>
        %dma_start3A_480 = tpu.memref_squeeze %dma_start3A_479 : memref<1x100xi32, #tpu.memory_space<vmem>> -> memref<100xi32, #tpu.memory_space<vmem>>
        %dma_start3A_481 = arith.constant 0 : i32
        %dma_start3A_482 = tpu.memref_slice %arg3[%arg1, %add3A_476, %dma_start3A_481] : memref<16x100x100xi32, #tpu.memory_space<hbm>> -> memref<1x1x100xi32, #tpu.memory_space<hbm>>
        %dma_start3A_483 = tpu.memref_squeeze %dma_start3A_482 : memref<1x1x100xi32, #tpu.memory_space<hbm>> -> memref<100xi32, #tpu.memory_space<hbm>>
        %dma_start3A_484 = arith.constant 0 : i32
        %dma_start3A_485 = tpu.memref_slice %arg8[%dma_start3A_477, %dma_start3A_484] : memref<4x100xi32, #tpu.memory_space<vmem>> -> memref<1x100xi32, #tpu.memory_space<vmem>>
        %dma_start3A_486 = tpu.memref_squeeze %dma_start3A_485 : memref<1x100xi32, #tpu.memory_space<vmem>> -> memref<100xi32, #tpu.memory_space<vmem>>
        %dma_start3A_487 = arith.constant 0 : i32
        %dma_start3A_488 = tpu.memref_slice %arg3[%arg1, %add3A_476, %dma_start3A_487] : memref<16x100x100xi32, #tpu.memory_space<hbm>> -> memref<1x1x100xi32, #tpu.memory_space<hbm>>
        %dma_start3A_489 = tpu.memref_squeeze %dma_start3A_488 : memref<1x1x100xi32, #tpu.memory_space<hbm>> -> memref<100xi32, #tpu.memory_space<hbm>>
        tpu.enqueue_dma source(%dma_start3A_489 : memref<100xi32, #tpu.memory_space<hbm>>) target(%dma_start3A_486 : memref<100xi32, #tpu.memory_space<vmem>>) target_semaphore(%arg15 : memref<!tpu.dma_semaphore, #tpu.memory_space<semaphore_mem>>)
      } else {
      }
    }
    %scan3A_245 = arith.constant 24 : i32
    %dma_wait3A_246 = arith.constant 0 : i32
    %dma_wait3A_247 = arith.constant 0 : i32
    %dma_wait3A_248 = tpu.memref_slice %arg8[%dma_wait3A_246, %dma_wait3A_247] : memref<4x100xi32, #tpu.memory_space<vmem>> -> memref<1x100xi32, #tpu.memory_space<vmem>>
    %dma_wait3A_249 = tpu.memref_squeeze %dma_wait3A_248 : memref<1x100xi32, #tpu.memory_space<vmem>> -> memref<100xi32, #tpu.memory_space<vmem>>
    %dma_wait3A_250 = arith.constant 0 : i32
    %dma_wait3A_251 = arith.constant 0 : i32
    %dma_wait3A_252 = tpu.memref_slice %arg6[%dma_wait3A_250, %dma_wait3A_251] : memref<10112x128xf32, #tpu.memory_space<vmem_shared>> -> memref<10112x128xf32, #tpu.memory_space<vmem_shared>>
    tpu.wait_indirect_dma semaphore(%arg12 : memref<!tpu.dma_semaphore, #tpu.memory_space<semaphore_mem>>) src(%arg9 : memref<100x128xf32, #tpu.memory_space<vmem>>) dst(%dma_wait3A_252 : memref<10112x128xf32, #tpu.memory_space<vmem_shared>>)
    %dma_wait3A_253 = arith.constant 0 : i32
    %dma_wait3A_254 = arith.constant 0 : i32
    %dma_wait3A_255 = tpu.memref_slice %arg8[%dma_wait3A_253, %dma_wait3A_254] : memref<4x100xi32, #tpu.memory_space<vmem>> -> memref<1x100xi32, #tpu.memory_space<vmem>>
    %dma_wait3A_256 = tpu.memref_squeeze %dma_wait3A_255 : memref<1x100xi32, #tpu.memory_space<vmem>> -> memref<100xi32, #tpu.memory_space<vmem>>
    %dma_wait3A_257 = arith.constant 0 : i32
    %dma_wait3A_258 = arith.constant 0 : i32
    %dma_wait3A_259 = tpu.memref_slice %arg6[%dma_wait3A_257, %dma_wait3A_258] : memref<10112x128xf32, #tpu.memory_space<vmem_shared>> -> memref<10112x128xf32, #tpu.memory_space<vmem_shared>>
    tpu.wait_indirect_dma semaphore(%arg13 : memref<!tpu.dma_semaphore, #tpu.memory_space<semaphore_mem>>) src(%arg10 : memref<100x128xf32, #tpu.memory_space<vmem>>) dst(%dma_wait3A_259 : memref<10112x128xf32, #tpu.memory_space<vmem_shared>>)
    %barrier3A_260 = arith.constant 0 : index
    tpu.barrier barrier_id(%barrier3A_260)
    %mul3A_261 = arith.constant 632 : i32
    %mul3A_262 = arith.muli %arg1, %mul3A_261 : i32
    %mul3A_263 = arith.constant 632 : i32
    %mul3A_264 = arith.muli %arg1, %mul3A_263 : i32
    "tpu.region"() ({
      %run_scoped3A = tpu.sem_alloc : memref<!tpu.dma_semaphore, #tpu.memory_space<semaphore_mem>>
      %dma_start3A_265 = arith.constant 0 : i32
      %dma_start3A_266 = tpu.memref_slice %arg5[%arg0, %mul3A_264, %dma_start3A_265] : memref<2x10112x128xf32, #tpu.memory_space<hbm>> -> memref<1x632x128xf32, #tpu.memory_space<hbm>>
      %dma_start3A_267 = tpu.memref_squeeze %dma_start3A_266 : memref<1x632x128xf32, #tpu.memory_space<hbm>> -> memref<632x128xf32, #tpu.memory_space<hbm>>
      %dma_start3A_268 = arith.constant 0 : i32
      %dma_start3A_269 = tpu.memref_slice %arg6[%mul3A_262, %dma_start3A_268] : memref<10112x128xf32, #tpu.memory_space<vmem_shared>> -> memref<632x128xf32, #tpu.memory_space<vmem_shared>>
      tpu.enqueue_dma source(%dma_start3A_269 : memref<632x128xf32, #tpu.memory_space<vmem_shared>>) target(%dma_start3A_267 : memref<632x128xf32, #tpu.memory_space<hbm>>) target_semaphore(%run_scoped3A : memref<!tpu.dma_semaphore, #tpu.memory_space<semaphore_mem>>)
      %dma_wait3A_270 = arith.constant 0 : i32
      %dma_wait3A_271 = tpu.memref_slice %arg5[%arg0, %mul3A_264, %dma_wait3A_270] : memref<2x10112x128xf32, #tpu.memory_space<hbm>> -> memref<1x632x128xf32, #tpu.memory_space<hbm>>
      %dma_wait3A_272 = tpu.memref_squeeze %dma_wait3A_271 : memref<1x632x128xf32, #tpu.memory_space<hbm>> -> memref<632x128xf32, #tpu.memory_space<hbm>>
      %dma_wait3A_273 = arith.constant 0 : i32
      %dma_wait3A_274 = tpu.memref_slice %arg6[%mul3A_262, %dma_wait3A_273] : memref<10112x128xf32, #tpu.memory_space<vmem_shared>> -> memref<632x128xf32, #tpu.memory_space<vmem_shared>>
      tpu.wait_dma2 semaphore(%run_scoped3A : memref<!tpu.dma_semaphore, #tpu.memory_space<semaphore_mem>>) src(%dma_wait3A_274 : memref<632x128xf32, #tpu.memory_space<vmem_shared>>) dst(%dma_wait3A_272 : memref<632x128xf32, #tpu.memory_space<hbm>>)
      tpu.yield
    }) : () -> ()
    return
  }
}

module attributes {stable_mosaic.version = 14 : i64} {
  func.func @_mm_body(%arg0: i32, %arg1: memref<32x2048xf32, #tpu.memory_space<vmem>>, %arg2: memref<2048x256xf32, #tpu.memory_space<vmem>>, %arg3: memref<256x256xf32, #tpu.memory_space<vmem>>, %arg4: memref<2x2048x128xf32, #tpu.memory_space<vmem>>, %arg5: memref<2048x1xf32, #tpu.memory_space<vmem>>) attributes {dimension_semantics = [#tpu.dimension_semantics<arbitrary>], iteration_bounds = array<i64: 5>, scalar_prefetch = 0 : i64, scratch_operands = 0 : i64, tpu.core_type = #tpu.core_type<tc>, window_params = [{transform_indices = @transform_0, window_bounds = array<i64: 32, 2048>}, {transform_indices = @transform_1, window_bounds = array<i64: 2048, 256>}, {pipeline_mode = #tpu.pipeline_mode<synchronous>, transform_indices = @transform_2, window_bounds = array<i64: 256, 256>}, {transform_indices = @transform_3, window_bounds = array<i64: 2, 2048, 128>}, {transform_indices = @transform_4, window_bounds = array<i64: 2048, 1>}]} {
    %get3A = arith.constant 0 : index
    %get3A_0 = arith.constant 0 : index
    %get3A_1 = vector.load %arg1[%get3A, %get3A_0] : memref<32x2048xf32, #tpu.memory_space<vmem>>, vector<32x2048xf32>
    %reduce_sum3A = arith.constant dense<0.000000e+00> : vector<2048xf32>
    %reduce_sum3A_2 = vector.multi_reduction <add>, %get3A_1, %reduce_sum3A [0] : vector<32x2048xf32> to vector<2048xf32>
    %add3A = arith.constant 1.000000e+00 : f32
    %add3A_3 = vector.broadcast %add3A : f32 to vector<2048xf32>
    %add3A_4 = arith.addf %reduce_sum3A_2, %add3A_3 : vector<2048xf32>
    %rsqrt3A = math.rsqrt %add3A_4 : vector<2048xf32>
    %get3A_5 = arith.constant 0 : index
    %get3A_6 = arith.constant 0 : index
    %get3A_7 = vector.load %arg2[%get3A_5, %get3A_6] : memref<2048x256xf32, #tpu.memory_space<vmem>>, vector<2048x256xf32>
    %broadcast_in_dim3A = vector.shape_cast %rsqrt3A : vector<2048xf32> to vector<2048x1xf32>
    %mul3A = vector.broadcast %broadcast_in_dim3A : vector<2048x1xf32> to vector<2048x256xf32>
    %mul3A_8 = arith.mulf %get3A_7, %mul3A : vector<2048x256xf32>
    %get3A_9 = arith.constant 0 : index
    %get3A_10 = arith.constant 0 : index
    %get3A_11 = vector.load %arg3[%get3A_9, %get3A_10] : memref<256x256xf32, #tpu.memory_space<vmem>>, vector<256x256xf32>
    %dot_general3A = arith.constant dense<0.000000e+00> : vector<2048x256xf32>
    %dot_general3A_12 = tpu.matmul %mul3A_8, %get3A_11, %dot_general3A {dimension_numbers = #tpu.dot_dimension_numbers<[1], [0], [0], [1], [0, 0, 1, 1], [], []>, transpose_lhs_hint = false} : vector<2048x256xf32>, vector<256x256xf32>, vector<2048x256xf32> -> vector<2048x256xf32>
    %slice3A = vector.extract_strided_slice %dot_general3A_12 {offsets = [0, 0], sizes = [2048, 128], strides = [1, 1]} : vector<2048x256xf32> to vector<2048x128xf32>
    %swap3A = arith.constant 0 : index
    %swap3A_13 = arith.constant 0 : index
    %swap3A_14 = arith.constant 0 : index
    %swap3A_15 = vector.load %arg4[%swap3A, %swap3A_13, %swap3A_14] : memref<2x2048x128xf32, #tpu.memory_space<vmem>>, vector<1x2048x128xf32>
    %swap3A_16 = vector.shape_cast %swap3A_15 : vector<1x2048x128xf32> to vector<2048x128xf32>
    %swap3A_17 = vector.shape_cast %slice3A : vector<2048x128xf32> to vector<1x2048x128xf32>
    tpu.vector_store %arg4[%swap3A, %swap3A_13, %swap3A_14], %swap3A_17 {strides = array<i32>} : memref<2x2048x128xf32, #tpu.memory_space<vmem>>, vector<1x2048x128xf32>,
    %slice3A_18 = vector.extract_strided_slice %dot_general3A_12 {offsets = [0, 128], sizes = [2048, 128], strides = [1, 1]} : vector<2048x256xf32> to vector<2048x128xf32>
    %swap3A_19 = arith.constant 1 : index
    %swap3A_20 = arith.constant 0 : index
    %swap3A_21 = arith.constant 0 : index
    %swap3A_22 = vector.load %arg4[%swap3A_19, %swap3A_20, %swap3A_21] : memref<2x2048x128xf32, #tpu.memory_space<vmem>>, vector<1x2048x128xf32>
    %swap3A_23 = vector.shape_cast %swap3A_22 : vector<1x2048x128xf32> to vector<2048x128xf32>
    %swap3A_24 = vector.shape_cast %slice3A_18 : vector<2048x128xf32> to vector<1x2048x128xf32>
    tpu.vector_store %arg4[%swap3A_19, %swap3A_20, %swap3A_21], %swap3A_24 {strides = array<i32>} : memref<2x2048x128xf32, #tpu.memory_space<vmem>>, vector<1x2048x128xf32>,
    %broadcast_in_dim3A_25 = vector.shape_cast %rsqrt3A : vector<2048xf32> to vector<2048x1xf32>
    %swap3A_26 = arith.constant 0 : index
    %swap3A_27 = arith.constant 0 : index
    %swap3A_28 = vector.load %arg5[%swap3A_26, %swap3A_27] : memref<2048x1xf32, #tpu.memory_space<vmem>>, vector<2048x1xf32>
    tpu.vector_store %arg5[%swap3A_26, %swap3A_27], %broadcast_in_dim3A_25 {strides = array<i32>} : memref<2048x1xf32, #tpu.memory_space<vmem>>, vector<2048x1xf32>,
    return
  }
  func.func @transform_0(%arg0: i32) -> (i32, i32) {
    %c0_i32 = arith.constant 0 : i32
    %c0_i32_0 = arith.constant 0 : i32
    return %c0_i32, %arg0 : i32, i32
  }
  func.func @transform_1(%arg0: i32) -> (i32, i32) {
    %c0_i32 = arith.constant 0 : i32
    %c0_i32_0 = arith.constant 0 : i32
    return %arg0, %c0_i32 : i32, i32
  }
  func.func @transform_2(%arg0: i32) -> (i32, i32) {
    %c0_i32 = arith.constant 0 : i32
    %c0_i32_0 = arith.constant 0 : i32
    %c0_i32_1 = arith.constant 0 : i32
    return %c0_i32, %c0_i32_0 : i32, i32
  }
  func.func @transform_3(%arg0: i32) -> (i32, i32, i32) {
    %c0_i32 = arith.constant 0 : i32
    %c0_i32_0 = arith.constant 0 : i32
    %c0_i32_1 = arith.constant 0 : i32
    return %c0_i32, %arg0, %c0_i32_0 : i32, i32, i32
  }
  func.func @transform_4(%arg0: i32) -> (i32, i32) {
    %c0_i32 = arith.constant 0 : i32
    %c0_i32_0 = arith.constant 0 : i32
    return %arg0, %c0_i32 : i32, i32
  }
}

module attributes {stable_mosaic.version = 14 : i64} {
  func.func @_ep_body(%arg0: i32, %arg1: i32, %arg2: memref<1x10000x128xf32, #tpu.memory_space<vmem>>, %arg3: memref<10000x1xf32, #tpu.memory_space<vmem>>, %arg4: memref<2x128xf32, #tpu.memory_space<vmem>>, %arg5: memref<10000x128xf32, #tpu.memory_space<vmem>>) attributes {dimension_semantics = [#tpu.dimension_semantics<arbitrary>, #tpu.dimension_semantics<arbitrary>], iteration_bounds = array<i64: 1, 2>, scalar_prefetch = 0 : i64, scratch_operands = 0 : i64, tpu.core_type = #tpu.core_type<tc>, window_params = [{transform_indices = @transform_0, window_bounds = array<i64: 1, 10000, 128>}, {transform_indices = @transform_1, window_bounds = array<i64: 10000, 1>}, {pipeline_mode = #tpu.pipeline_mode<synchronous>, transform_indices = @transform_2, window_bounds = array<i64: 2, 128>}, {transform_indices = @transform_3, window_bounds = array<i64: 10000, 128>}]} {
    %eq3A = arith.constant 0 : i32
    %eq3A_0 = arith.cmpi eq, %arg1, %eq3A : i32
    %get3A = arith.constant 0 : index
    %get3A_1 = arith.constant 0 : index
    %get3A_2 = vector.load %arg4[%get3A, %get3A_1] : memref<2x128xf32, #tpu.memory_space<vmem>>, vector<1x128xf32>
    %get3A_3 = vector.shape_cast %get3A_2 : vector<1x128xf32> to vector<128xf32>
    %get3A_4 = arith.constant 1 : index
    %get3A_5 = arith.constant 0 : index
    %get3A_6 = vector.load %arg4[%get3A_4, %get3A_5] : memref<2x128xf32, #tpu.memory_space<vmem>>, vector<1x128xf32>
    %get3A_7 = vector.shape_cast %get3A_6 : vector<1x128xf32> to vector<128xf32>
    %select_n3A = arith.select %eq3A_0, %get3A_3, %get3A_7 : vector<128xf32>
    %get3A_8 = arith.constant 0 : index
    %get3A_9 = arith.constant 0 : index
    %get3A_10 = arith.constant 0 : index
    %get3A_11 = vector.load %arg2[%get3A_8, %get3A_9, %get3A_10] : memref<1x10000x128xf32, #tpu.memory_space<vmem>>, vector<1x10000x128xf32>
    %get3A_12 = vector.shape_cast %get3A_11 : vector<1x10000x128xf32> to vector<10000x128xf32>
    %get3A_13 = arith.constant 0 : index
    %get3A_14 = arith.constant 0 : index
    %get3A_15 = vector.load %arg3[%get3A_13, %get3A_14] : memref<10000x1xf32, #tpu.memory_space<vmem>>, vector<10000x1xf32>
    %mul3A = vector.broadcast %get3A_15 : vector<10000x1xf32> to vector<10000x128xf32>
    %mul3A_16 = arith.mulf %get3A_12, %mul3A : vector<10000x128xf32>
    %broadcast_in_dim3A = vector.shape_cast %select_n3A : vector<128xf32> to vector<1x128xf32>
    %add3A = vector.broadcast %broadcast_in_dim3A : vector<1x128xf32> to vector<10000x128xf32>
    %add3A_17 = arith.addf %mul3A_16, %add3A : vector<10000x128xf32>
    %max3A = arith.constant 0.000000e+00 : f32
    %max3A_18 = vector.broadcast %max3A : f32 to vector<10000x128xf32>
    %max3A_19 = arith.maximumf %add3A_17, %max3A_18 : vector<10000x128xf32>
    %swap3A = arith.constant 0 : index
    %swap3A_20 = arith.constant 0 : index
    %swap3A_21 = vector.load %arg5[%swap3A, %swap3A_20] : memref<10000x128xf32, #tpu.memory_space<vmem>>, vector<10000x128xf32>
    tpu.vector_store %arg5[%swap3A, %swap3A_20], %max3A_19 {strides = array<i32>} : memref<10000x128xf32, #tpu.memory_space<vmem>>, vector<10000x128xf32>,
    return
  }
  func.func @transform_0(%arg0: i32, %arg1: i32) -> (i32, i32, i32) {
    %c0_i32 = arith.constant 0 : i32
    %c0_i32_0 = arith.constant 0 : i32
    return %arg1, %arg0, %c0_i32 : i32, i32, i32
  }
  func.func @transform_1(%arg0: i32, %arg1: i32) -> (i32, i32) {
    %c0_i32 = arith.constant 0 : i32
    %c0_i32_0 = arith.constant 0 : i32
    return %arg0, %c0_i32 : i32, i32
  }
  func.func @transform_2(%arg0: i32, %arg1: i32) -> (i32, i32) {
    %c0_i32 = arith.constant 0 : i32
    %c0_i32_0 = arith.constant 0 : i32
    %c0_i32_1 = arith.constant 0 : i32
    return %c0_i32, %c0_i32_0 : i32, i32
  }
  func.func @transform_3(%arg0: i32, %arg1: i32) -> (i32, i32) {
    %c0_i32 = arith.constant 0 : i32
    return %arg0, %arg1 : i32, i32
  }
}

</mosaic_0001>

<sc_bundles>
// kernel: kernel.6.cloned.1.call-start
scs
__scs_entry_jumppad:
0x0: {  	(pc) =	sbr.rel $0x88, $3  }
0x1: {  	(tag) =	ssettag $0x0;
	lr =	simm.s32 $0x1  }
0x2: {  	[smem:$0x3F9D] =	sst lr;
	_ =	strace $0xD0000000  }
0x3: {  	_ = 	snop  }
0x4: {  	_ = 	snop  }
0x5: {  	_ = 	snop  }
0x6: {  	_ = 	snop  }
0x7: {  	_ = 	snop  }
__scs_overlays_trampoline_lowered:
0x8: {  	[smem:$0x3FAC] =	sst s0  }
0x9: {  	[smem:$0x3FAD] =	sst s1  }
0xa: {  	[smem:$0x3FAE] =	sst s2  }
0xb: {  	[smem:$0x3FAF] =	sst s3  }
0xc: {  	[smem:$0x3FB0] =	sst s4  }
0xd: {  	[smem:$0x3FB1] =	sst s5  }
0xe: {  	[smem:$0x3FB2] =	sst s6  }
0xf: {  	[smem:$0x3FB3] =	sst s7  }
0x10: {  	[smem:$0x3FB4] =	sst s8  }
0x11: {  	[smem:$0x3FB5] =	sst s9;
	s0 =	simm.s32 @!p0 $0x0  }
0x12: {  	s1 =	sld [smem:$0x3F9B];
	s0 =	simm.s32 @p0 $0x1  }
0x13: {  	[smem:$0x3FB6] =	sst s0;
	s0 =	simm.s32 @!p1 $0x0  }
0x14: {  	s2 =	sld [smem:$0x3F9A];
	s0 =	simm.s32 @p1 $0x1  }
0x15: {  	[smem:$0x3FB7] =	sst s0;
	s0 =	simm.s32 @!p2 $0x0  }
0x16: {  	s3 =	sld [smem:$0x3FDB];
	s0 =	simm.s32 @p2 $0x1  }
0x17: {  	s4 =	simm.s32 $0x1BF5;
	[smem:$0x3FB9] =	sst s0  }
0x18: {  	s0 =	sld [smem:$0x3F9C];
	_ =	swait.ge [sflag:s4], $0x0  }
0x19: {  	s7 =	sld [smem:$0x3F9D]  }
0x1a: {  	s8 =	sadd.s32 $0xFFFFE003, lr  }
0x1b: {  	s9 =	sadd.s32 $0xFFFFFEF7, lr;
	s5 =	simm.s32 $0xFFFFFFFF;
	p2 =	slt.u32 s8, $0xFFFFF086  }
0x1c: {  	p1 =	slt.u32 s9, $0xF7A;
	s5 =	simm.s32 @!p2 $0x0  }
0x1d: {  	s5 =	simm.s32 @p1 $0x1;
	p0 =	seq.s32 s7, s2  }
0x1e: {  	s7 =	smul.u32 @!p0 $0xF7A, s2;
	p2 =	seq.s32 @!p0 s5, $0x0  }
0x1f: {  	s9 =	smul.u32 $0xF7A, s1;
	s8 =	simm.s32 @!p0 $0x1BF5;
	p2 =	por !p2, p0  }
0x20: {  	[sflag:s8] =	ssyncset.s32 @!p0 $0xFFFFF086;
	s6 =	sadd.s32 @!p0 s3, s7;
	s7 =	simm.s32 @!p0 $0x108  }
0x21: {  	s3 =	sadd.s32 s3, s9;
	s6 =	sadd.s32 @!p0 $0x88, s6;
	s7 =	simm.s32 @p2 $0x1082  }
0x22: {  	[simem:s7], [sflag:s8] =	dma.local @!p0 [hbm:s6], $0xF7A  }
0x23: {  	s9 =	sor.u32 $0xD0000000, s2;
	s6 =	simm.s32 $0x108;
	_ =	swait.ge @!p0 [sflag:s8], $0x0  }
0x24: {  	s3 =	sadd.s32 $0x88, s3;
	s6 =	simm.s32 @!p1 $0x1082;
	[sflag:s4] =	ssyncset.s32 $0xFFFFF086  }
0x25: {  	[simem:s6], [sflag:s4] =	dma.local [hbm:s3], $0xF7A  }
0x26: {  	[smem:$0x3F9D] =	sst s1;
	(tag) =	ssettag s2;
	_ =	strace s9  }
0x27: {  	s1 =	sld [smem:$0x3FAD]  }
0x28: {  	s2 =	sld [smem:$0x3FAE]  }
0x29: {  	s4 =	sld [smem:$0x3FB0]  }
0x2a: {  	p0 =	seq.s32 s5, $0x0;
	s5 =	sld [smem:$0x3FB1]  }
0x2b: {  	s6 =	sld [smem:$0x3FB2]  }
0x2c: {  	s7 =	sld [smem:$0x3FB3]  }
0x2d: {  	s3 =	simm.s32 $0x108;
	s8 =	sld [smem:$0x3FB4]  }
0x2e: {  	s3 =	simm.s32 @!p0 $0x1082;
	s9 =	sld [smem:$0x3FB5]  }
0x2f: {  	lr =	sadd.s32 s0, s3;
	s0 =	sld [smem:$0x3FAC]  }
0x30: {  	s3 =	sld [smem:$0x3FAF]  }
0x31: {  	[smem:$0x3FB8] =	sst s10  }
0x32: {  	s10 =	sld [smem:$0x3FB6];
	_ =	sdelay $0x3  }
0x33: {  	p0 =	seq.s32 s10, $0x1;
	s10 =	sld [smem:$0x3FB8];
	_ =	sdelay $0x3  }
0x34: {  	[smem:$0x3FB8] =	sst s10  }
0x35: {  	s10 =	sld [smem:$0x3FB7];
	_ =	sdelay $0x3  }
0x36: {  	p1 =	seq.s32 s10, $0x1;
	s10 =	sld [smem:$0x3FB8];
	_ =	sdelay $0x3  }
0x37: {  	[smem:$0x3FB8] =	sst s10  }
0x38: {  	s10 =	sld [smem:$0x3FB9]  }
0x39: {  	_ = 	snop;
	(pc) =	sbr.ind lr, $3  }
0x3a: {  	_ = 	snop  }
0x3b: {  	_ = 	snop  }
0x3c: {  	p2 =	seq.s32 s10, $0x1;
	s10 =	sld [smem:$0x3FB8]  }
0x3d: {  	_ =	shalt  }
0x3e: {  	_ =	shalt  }
0x3f: {  	_ =	shalt  }
0x40: {  	_ =	shalt  }
0x41: {  	_ =	shalt  }
0x42: {  	_ =	shalt  }
0x43: {  	_ =	shalt  }
0x44: {  	_ =	shalt  }
0x45: {  	_ =	shalt  }
0x46: {  	_ =	shalt  }
0x47: {  	_ =	shalt  }
0x48: {  	_ =	shalt  }
0x49: {  	_ =	shalt  }
0x4a: {  	_ =	shalt  }
0x4b: {  	_ =	shalt  }
0x4c: {  	_ =	shalt  }
0x4d: {  	_ =	shalt  }
0x4e: {  	_ =	shalt  }
0x4f: {  	_ =	shalt  }
0x50: {  	_ =	shalt  }
0x51: {  	_ =	shalt  }
0x52: {  	_ =	shalt  }
0x53: {  	_ =	shalt  }
0x54: {  	_ =	shalt  }
0x55: {  	_ =	shalt  }
0x56: {  	_ =	shalt  }
0x57: {  	_ =	shalt  }
0x58: {  	_ =	shalt  }
0x59: {  	_ =	shalt  }
0x5a: {  	_ =	shalt  }
0x5b: {  	_ =	shalt  }
0x5c: {  	_ =	shalt  }
0x5d: {  	_ =	shalt  }
0x5e: {  	_ =	shalt  }
0x5f: {  	_ =	shalt  }
0x60: {  	_ =	shalt  }
0x61: {  	_ =	shalt  }
0x62: {  	_ =	shalt  }
0x63: {  	_ =	shalt  }
0x64: {  	_ =	shalt  }
0x65: {  	_ =	shalt  }
0x66: {  	_ =	shalt  }
0x67: {  	_ =	shalt  }
0x68: {  	_ =	shalt  }
0x69: {  	_ =	shalt  }
0x6a: {  	_ =	shalt  }
0x6b: {  	_ =	shalt  }
0x6c: {  	_ =	shalt  }
0x6d: {  	_ =	shalt  }
0x6e: {  	_ =	shalt  }
0x6f: {  	_ =	shalt  }
0x70: {  	_ =	shalt  }
0x71: {  	_ =	shalt  }
0x72: {  	_ =	shalt  }
0x73: {  	_ =	shalt  }
0x74: {  	_ =	shalt  }
0x75: {  	_ =	shalt  }
0x76: {  	_ =	shalt  }
0x77: {  	_ =	shalt  }
0x78: {  	_ =	shalt  }
0x79: {  	_ =	shalt  }
0x7a: {  	_ =	shalt  }
0x7b: {  	_ =	shalt  }
0x7c: {  	_ =	shalt  }
0x7d: {  	_ =	shalt  }
0x7e: {  	_ =	shalt  }
0x7f: {  	_ =	shalt  }
0x80: {  	_ =	shalt  }
0x81: {  	_ =	shalt  }
0x82: {  	_ =	shalt  }
0x83: {  	_ =	shalt  }
0x84: {  	_ =	shalt  }
0x85: {  	_ =	shalt  }
0x86: {  	_ =	shalt  }
0x87: {  	_ =	shalt  }
.Lfunc_end0:
.L_simem_size_0:
called_computation_lowered:
.L_overlay_start_0:
0x88: {  	s2 =	sld [smem:$0x3FD9]  }
0x89: {  	s3 =	sld [smem:$0x3FFE];
	_ =	sdelay $0x1  }
0x8a: {  	s1 =	srdreg.scid  }
0x8b: {  	s0 =	sand.u32 $0x1, s1  }
0x8c: {  	s16 =	sshll.u32 s0, $0xA;
	s2 =	sadd.s32 s3, s2  }
0x8d: {  	s2 =	sadd.s32 s2, s16  }
0x8e: {  	[smem:$0x3FC4] =	sst s2  }
0x8f: {  	_ = 	snop  }
0x90: {  	(tm) =	ssettm $0x1  }
0x91: {  	s17 =	sld [smem:$0x3FFB];
	_ =	sdelay $0x3  }
0x92: {  	_ =	strace s17  }
0x93: {  	s2 =	sld [smem:$0x3FFC];
	_ =	sdelay $0x3  }
0x94: {  	_ =	strace s2  }
0x95: {  	s2 =	sld [smem:$0x3FFD];
	_ =	sdelay $0x3  }
0x96: {  	_ =	strace s2  }
0x97: {  	_ =	strace $0x8FFFFFFF  }
0x98: {  	s18 =	sld [smem:$0x3FDB];
	_ =	sdelay $0x1  }
0x99: {  	s19 =	simm.s32 $_scs_section_size  }
0x9a: {  	s4 =	simm.s32 $_size__tile_overlayer_lowered;
	s5 =	simm.s32 $_tile_overlayer_lowered  }
0x9b: {  	s22 =	simm.s32 $0x1BFF;
	s21 =	sshll.u32 s5, $0x1;
	s2 =	sadd.s32 s19, s18  }
0x9c: {  	s6 =	simm.s32 $0x0;
	s20 =	sshll.u32 s4, $0x1;
	s4 =	sadd.s32 s21, s2  }
0x9d: {  	[timem:s6], [sflag:s22] =	dma.local [hbm:s4], s20  }
0x9e: {  	_ =	swait.ge [sflag:s22], s20  }
0x9f: {  	s3 =	ssub.s32 $0x0, s20;
	[sflag:s22] =	ssyncset.done $0x0  }
0xa0: {  	[sflag:s22] =	ssyncadd.s32 s3;
	_ =	sdelay $0x1  }
0xa1: {  	s23 =	simm.s32 $0x1B8B  }
0xa2: {  	_ =	swait.ge [sflag:s23], $0x1  }
0xa3: {  	[sflag:s23] =	ssyncset.done $0x0  }
0xa4: {  	s25 =	simm.s32 $0x1B8E;
	s24 =	sld [smem:$0x3FFE];
	[sflag:s23] =	ssyncadd.s32 $0xFFFFFFFF  }
0xa5: {  	s26 =	simm.s32 $execute0_lowered;
	[smem:$0x3FD2] =	sst s25  }
0xa6: {  	s4 =	sshll.u32 s26, $0x1;
	_ =	strace $0x80000046;
	[dreg:$0x1] =	wrdreg $0xFFFFFFFF  }
0xa7: {  	s28 =	simm.s32 $_size_execute0_lowered;
	s2 =	sadd.s32 s2, s4;
	[dreg:$0x0] =	wrdreg $0x0  }
0xa8: {  	s4 =	sshll.u32 s28, $0x1;
	[dreg:$0x2] =	wrdreg s2  }
0xa9: {  	[dreg:$0x3] =	wrdreg s4  }
0xaa: {  	[dreg:$0x4] =	wrdreg $0xC0  }
0xab: {  	_ =	task [dreg:s6], $0x5FFFF  }
0xac: {  	[dreg:$0x1] =	wrdreg $0xFFFFFFFF  }
0xad: {  	[dreg:$0x0] =	wrdreg $0x60  }
0xae: {  	[dreg:$0x2] =	wrdreg s24  }
0xaf: {  	[dreg:$0x3] =	wrdreg $0x9  }
0xb0: {  	_ =	task.clear_ibuf [dreg:s6], $0x4FFFF;
	_ =	strace $0x90000046  }
0xb1: {  	s29 =	simm.s32 $0x9;
	_ =	strace $0x80000048  }
0xb2: {  	_ =	swait.ge [sflag:s29], $0x1  }
0xb3: {  	[sflag:s29] =	ssyncadd.s32 $0xFFFFFFFF  }
0xb4: {  	_ =	strace $0x90000048  }
0xb5: {  	_ =	sfence  }
0xb6: {  	s30 =	sld [smem:$0x0];
	_ =	sdelay $0x2  }
0xb7: {  	s31 =	sshll.u32 s1, $0xD;
	s1 =	sshrl.u32 s1, $0x2  }
0xb8: {  	s3 =	sand.u32 $0x4000, s31;
	s1 =	sadd.s32 s1, s30  }
0xb9: {  	s0 =	sor.u32 s3, s0;
	s1 =	sshll.u32 s1, $0x11  }
0xba: {  	s0 =	sor.u32 s1, s0  }
0xbb: {  	s0 =	sadd.s32 $0x8F2B, s0  }
0xbc: {  	[sflag:s0] =	ssyncadd.remote.s32 $0x1  }
0xbd: {  	_ =	sfence.sel $0xFFFF  }
0xbe: {  	[dreg:$0x0] =	wrdreg $0xFFFFFFFF;
	(pc) =	sbr.abs _section_cstart, $3  }
0xbf: {  	[dreg:$0x1] =	wrdreg $0xFFFFFFFF  }
0xc0: {  	_ =	task.clear_ibuf [dreg:s6], $0x2FFFF;
	_ =	strace $0x9FFFFFFF  }
0xc1: {  	(tm) =	ssettm $0x7FFFFFFF  }
tec
execute0_lowered:
.L_overlay_start_1:
0x0: {  	(tag) =	ssettag $0x1  }
0x1: {  	s0 =	srdreg.scid  }
0x2: {  	s3 =	sand.u32 $0x1, s0  }
0x3: {  	s4 =	rddreg [dreg:$0x0];
	s0 =	stileid.u32;
	s1 =	sshll.u32 s3, $0x4  }
0x4: {  	s2 =	simm.s32 $0x0;
	s8 =	simm.s32 $0x2780;
	s1 =	sor.u32 s0, s1  }
0x5: {  	s9 =	simm.s32 $0x1;
	s10 =	simm.s32 $0x0;
	s5 =	sshrl.u32 s1, $0x3  }
0x6: {  	[smem:$0x7FF] =	sst s2;
	s7 =	sshll.u32 s0, $0x7;
	s6 =	smul.u32 $0xA000, s5  }
0x7: {  	s3 =	ssub.s32 $0x2, s3;
	s7 =	sand.u32 $0x380, s7;
	s5 =	smul.u32 $0x13C00, s5  }
0x8: {  	s31 =	sshrl.u32 s3, $0x1;
	s1 =	rddreg [dreg:$0x1];
	s6 =	sor.u32 s7, s6  }
0x9: {  	_ =	strace $0x80000047;
	s5 =	sor.u32 s7, s5;
	s6 =	sshrl.u32 s6, $0x3  }
0xa: {  	s7 =	simm.s32 $0x400;
	s5 =	sshrl.u32 s5, $0x3;
	s6 =	sadd.s32 s6, s4  }
0xb: {  	s4 =	sadd.s32 s5, s4;
	s5 =	ssub.s32 s3, s31;
	s3 =	sadd.s32 $0x600, s6  }
0xc: {  	v0 =	vimm.f32 $0.0e+00;
	v1 =	vimm.f32 $1.000000000e+00;
	s4 =	sadd.s32 $0x5600, s4;
	s5 =	smax.u32 s5, $0x1;
	s6 =	simm.s32 $0x80  }
.LBB2_1:
0xd: {  	s11 =	simm.s32 $0x40;
	s12 =	simm.s32 $0x0  }
.LBB2_2:
0xe: {  	p0 =	sne.s32 s11, $0x9DC0;
	[tilespmem:s12+$0x0] =	vst v0;
	s12 =	smov.u32 s11;
	s11 =	sadd.s32 $0x40, s11  }
.Ltmp0:
0xf: {  	(pc) =	sbr.rel @p0 .LBB2_2-.Ltmp0, $2  }
0x10: {  	_ =	sdelay $0x2  }
0x11: {  	s12 =	sshra.s32 s12, $0x2  }
0x12: {  	[tilespmem:s12+$0x0] =	vst v0  }
0x13: {  	[tilespmem:s8], [sflag:$0x1] =	stream.strided.gather [hbm4b:s3+s6], $0x1400, s7, s6, $0x38;
	[tilespmem:$0x3B80] =	vst v63  }
0x14: {  	_ =	swait.ge [sflag:s9], $0x1400  }
0x15: {  	[sflag:s9] =	ssyncset.done $0x0  }
0x16: {  	s12 =	simm.s32 $0x0;
	s11 =	simm.s32 $0x40;
	[sflag:s9] =	ssyncadd.s32 $0xFFFFEC00  }
.LBB2_4:
0x17: {  	p0 =	sne.s32 s11, $0x4E00;
	v2 =	vld [tilespmem:s12+$0x2780];
	_ =	sdelay $0x3  }
.Ltmp1:
0x18: {  	(pc) =	sbr.rel @p0 .LBB2_4-.Ltmp1, $2  }
0x19: {  	_ =	sdelay $0x2  }
0x1a: {  	s12 =	sshra.s32 s11, $0x2;
	s11 =	sadd.s32 $0x40, s11;
	[tilespmem:v2+s2+$0x0] =	vst.idx.add.f32.msk $0xffff, v1  }
0x1b: {  	v2 =	vld [tilespmem:s12+$0x2780];
	_ =	sdelay $0x5  }
0x1c: {  	s10 =	sadd.s32 $0x1, s10  }
0x1d: {  	p0 =	sne.s32 s10, s5  }
.Ltmp2:
0x1e: {  	[tilespmem:v2+s2+$0x0] =	vst.idx.add.f32.msk $0xffff, v1;
	(pc) =	sbr.rel @p0 .LBB2_1-.Ltmp2, $4  }
0x1f: {  	[hbm4b:s4+s6] =	stream.strided.scatter [tilespmem:s2], [sflag:$0x1], $0x2780, s7, s6, $0x38;
	[tilespmem:$0x3B80] =	vst v63  }
0x20: {  	_ =	swait.ge [sflag:s9], $0x2780  }
0x21: {  	[sflag:s9] =	ssyncset.done $0x0  }
0x22: {  	[sflag:s9] =	ssyncadd.s32 $0xFFFFD880  }
0x23: {  	_ =	sfence.sel $0x180000  }
0x24: {  	[bflag:$0x0] =	sbarrier.arrive $0xFFFF  }
0x25: {  	p0 =	sne.s32 s0, $0x0;
	_ =	strace $0x90000047  }
0x26: {  	s0 =	sadd.s32 @!p0 $0x100000, s1;
	[bflag:$0x2] =	sbarrier.arrive $0xFFFF  }
0x27: {  	[sflag:s0] =	ssyncadd.tile.s32 @!p0 $0x1;
	_ =	shalt  }
.Lfunc_end2:
_tile_overlayer_lowered:
.L_overlay_start_2:
0x28: {  	(tag) =	ssettag $0x2  }
0x29: {  	s0 =	rddreg [dreg:$0x0];
	s2 =	stileid.u32  }
0x2a: {  	s1 =	rddreg [dreg:$0x1];
	p0 =	sne.s32 s2, $0x0  }
0x2b: {  	s3 =	rddreg [dreg:$0x2];
	[bflag:$0x3] =	sbarrier.arrive $0xFFFF;
	s2 =	simm.s32 @!p0 $0x1C01  }
0x2c: {  	[timem:s3], [sflag:s2] =	dma.local @!p0 [hbm:s0], s1  }
0x2d: {  	s0 =	simm.s32 @!p0 $0x1  }
0x2e: {  	_ =	swait.ge @!p0 [sflag:s0], s1  }
0x2f: {  	s1 =	ssub.s32 @!p0 $0x0, s1;
	[sflag:s0] =	ssyncset.done @!p0 $0x0  }
0x30: {  	[sflag:s0] =	ssyncadd.s32 @!p0 s1  }
0x31: {  	[bflag:$0x3] =	sbarrier.arrive $0xFFFF  }
0x32: {  	_ =	shalt  }

// kernel: kernel.9.cloned.1.call-start
scs
__scs_entry_jumppad:
0x0: {  	(pc) =	sbr.rel $0x88, $3  }
0x1: {  	(tag) =	ssettag $0x0;
	lr =	simm.s32 $0x1  }
0x2: {  	[smem:$0x3F9D] =	sst lr;
	_ =	strace $0xD0000000  }
0x3: {  	_ = 	snop  }
0x4: {  	_ = 	snop  }
0x5: {  	_ = 	snop  }
0x6: {  	_ = 	snop  }
0x7: {  	_ = 	snop  }
__scs_overlays_trampoline_lowered:
0x8: {  	[smem:$0x3FAC] =	sst s0  }
0x9: {  	[smem:$0x3FAD] =	sst s1  }
0xa: {  	[smem:$0x3FAE] =	sst s2  }
0xb: {  	[smem:$0x3FAF] =	sst s3  }
0xc: {  	[smem:$0x3FB0] =	sst s4  }
0xd: {  	[smem:$0x3FB1] =	sst s5  }
0xe: {  	[smem:$0x3FB2] =	sst s6  }
0xf: {  	[smem:$0x3FB3] =	sst s7  }
0x10: {  	[smem:$0x3FB4] =	sst s8  }
0x11: {  	[smem:$0x3FB5] =	sst s9;
	s0 =	simm.s32 @!p0 $0x0  }
0x12: {  	s1 =	sld [smem:$0x3F9B];
	s0 =	simm.s32 @p0 $0x1  }
0x13: {  	[smem:$0x3FB6] =	sst s0;
	s0 =	simm.s32 @!p1 $0x0  }
0x14: {  	s2 =	sld [smem:$0x3F9A];
	s0 =	simm.s32 @p1 $0x1  }
0x15: {  	[smem:$0x3FB7] =	sst s0;
	s0 =	simm.s32 @!p2 $0x0  }
0x16: {  	s3 =	sld [smem:$0x3FDB];
	s0 =	simm.s32 @p2 $0x1  }
0x17: {  	s4 =	simm.s32 $0x1BF5;
	[smem:$0x3FB9] =	sst s0  }
0x18: {  	s0 =	sld [smem:$0x3F9C];
	_ =	swait.ge [sflag:s4], $0x0  }
0x19: {  	s7 =	sld [smem:$0x3F9D]  }
0x1a: {  	s8 =	sadd.s32 $0xFFFFE003, lr  }
0x1b: {  	s9 =	sadd.s32 $0xFFFFFEF7, lr;
	s5 =	simm.s32 $0xFFFFFFFF;
	p2 =	slt.u32 s8, $0xFFFFF086  }
0x1c: {  	p1 =	slt.u32 s9, $0xF7A;
	s5 =	simm.s32 @!p2 $0x0  }
0x1d: {  	s5 =	simm.s32 @p1 $0x1;
	p0 =	seq.s32 s7, s2  }
0x1e: {  	s7 =	smul.u32 @!p0 $0xF7A, s2;
	p2 =	seq.s32 @!p0 s5, $0x0  }
0x1f: {  	s9 =	smul.u32 $0xF7A, s1;
	s8 =	simm.s32 @!p0 $0x1BF5;
	p2 =	por !p2, p0  }
0x20: {  	[sflag:s8] =	ssyncset.s32 @!p0 $0xFFFFF086;
	s6 =	sadd.s32 @!p0 s3, s7;
	s7 =	simm.s32 @!p0 $0x108  }
0x21: {  	s3 =	sadd.s32 s3, s9;
	s6 =	sadd.s32 @!p0 $0x88, s6;
	s7 =	simm.s32 @p2 $0x1082  }
0x22: {  	[simem:s7], [sflag:s8] =	dma.local @!p0 [hbm:s6], $0xF7A  }
0x23: {  	s9 =	sor.u32 $0xD0000000, s2;
	s6 =	simm.s32 $0x108;
	_ =	swait.ge @!p0 [sflag:s8], $0x0  }
0x24: {  	s3 =	sadd.s32 $0x88, s3;
	s6 =	simm.s32 @!p1 $0x1082;
	[sflag:s4] =	ssyncset.s32 $0xFFFFF086  }
0x25: {  	[simem:s6], [sflag:s4] =	dma.local [hbm:s3], $0xF7A  }
0x26: {  	[smem:$0x3F9D] =	sst s1;
	(tag) =	ssettag s2;
	_ =	strace s9  }
0x27: {  	s1 =	sld [smem:$0x3FAD]  }
0x28: {  	s2 =	sld [smem:$0x3FAE]  }
0x29: {  	s4 =	sld [smem:$0x3FB0]  }
0x2a: {  	p0 =	seq.s32 s5, $0x0;
	s5 =	sld [smem:$0x3FB1]  }
0x2b: {  	s6 =	sld [smem:$0x3FB2]  }
0x2c: {  	s7 =	sld [smem:$0x3FB3]  }
0x2d: {  	s3 =	simm.s32 $0x108;
	s8 =	sld [smem:$0x3FB4]  }
0x2e: {  	s3 =	simm.s32 @!p0 $0x1082;
	s9 =	sld [smem:$0x3FB5]  }
0x2f: {  	lr =	sadd.s32 s0, s3;
	s0 =	sld [smem:$0x3FAC]  }
0x30: {  	s3 =	sld [smem:$0x3FAF]  }
0x31: {  	[smem:$0x3FB8] =	sst s10  }
0x32: {  	s10 =	sld [smem:$0x3FB6];
	_ =	sdelay $0x3  }
0x33: {  	p0 =	seq.s32 s10, $0x1;
	s10 =	sld [smem:$0x3FB8];
	_ =	sdelay $0x3  }
0x34: {  	[smem:$0x3FB8] =	sst s10  }
0x35: {  	s10 =	sld [smem:$0x3FB7];
	_ =	sdelay $0x3  }
0x36: {  	p1 =	seq.s32 s10, $0x1;
	s10 =	sld [smem:$0x3FB8];
	_ =	sdelay $0x3  }
0x37: {  	[smem:$0x3FB8] =	sst s10  }
0x38: {  	s10 =	sld [smem:$0x3FB9]  }
0x39: {  	_ = 	snop;
	(pc) =	sbr.ind lr, $3  }
0x3a: {  	_ = 	snop  }
0x3b: {  	_ = 	snop  }
0x3c: {  	p2 =	seq.s32 s10, $0x1;
	s10 =	sld [smem:$0x3FB8]  }
0x3d: {  	_ =	shalt  }
0x3e: {  	_ =	shalt  }
0x3f: {  	_ =	shalt  }
0x40: {  	_ =	shalt  }
0x41: {  	_ =	shalt  }
0x42: {  	_ =	shalt  }
0x43: {  	_ =	shalt  }
0x44: {  	_ =	shalt  }
0x45: {  	_ =	shalt  }
0x46: {  	_ =	shalt  }
0x47: {  	_ =	shalt  }
0x48: {  	_ =	shalt  }
0x49: {  	_ =	shalt  }
0x4a: {  	_ =	shalt  }
0x4b: {  	_ =	shalt  }
0x4c: {  	_ =	shalt  }
0x4d: {  	_ =	shalt  }
0x4e: {  	_ =	shalt  }
0x4f: {  	_ =	shalt  }
0x50: {  	_ =	shalt  }
0x51: {  	_ =	shalt  }
0x52: {  	_ =	shalt  }
0x53: {  	_ =	shalt  }
0x54: {  	_ =	shalt  }
0x55: {  	_ =	shalt  }
0x56: {  	_ =	shalt  }
0x57: {  	_ =	shalt  }
0x58: {  	_ =	shalt  }
0x59: {  	_ =	shalt  }
0x5a: {  	_ =	shalt  }
0x5b: {  	_ =	shalt  }
0x5c: {  	_ =	shalt  }
0x5d: {  	_ =	shalt  }
0x5e: {  	_ =	shalt  }
0x5f: {  	_ =	shalt  }
0x60: {  	_ =	shalt  }
0x61: {  	_ =	shalt  }
0x62: {  	_ =	shalt  }
0x63: {  	_ =	shalt  }
0x64: {  	_ =	shalt  }
0x65: {  	_ =	shalt  }
0x66: {  	_ =	shalt  }
0x67: {  	_ =	shalt  }
0x68: {  	_ =	shalt  }
0x69: {  	_ =	shalt  }
0x6a: {  	_ =	shalt  }
0x6b: {  	_ =	shalt  }
0x6c: {  	_ =	shalt  }
0x6d: {  	_ =	shalt  }
0x6e: {  	_ =	shalt  }
0x6f: {  	_ =	shalt  }
0x70: {  	_ =	shalt  }
0x71: {  	_ =	shalt  }
0x72: {  	_ =	shalt  }
0x73: {  	_ =	shalt  }
0x74: {  	_ =	shalt  }
0x75: {  	_ =	shalt  }
0x76: {  	_ =	shalt  }
0x77: {  	_ =	shalt  }
0x78: {  	_ =	shalt  }
0x79: {  	_ =	shalt  }
0x7a: {  	_ =	shalt  }
0x7b: {  	_ =	shalt  }
0x7c: {  	_ =	shalt  }
0x7d: {  	_ =	shalt  }
0x7e: {  	_ =	shalt  }
0x7f: {  	_ =	shalt  }
0x80: {  	_ =	shalt  }
0x81: {  	_ =	shalt  }
0x82: {  	_ =	shalt  }
0x83: {  	_ =	shalt  }
0x84: {  	_ =	shalt  }
0x85: {  	_ =	shalt  }
0x86: {  	_ =	shalt  }
0x87: {  	_ =	shalt  }
.Lfunc_end0:
.L_simem_size_0:
called_computation.1_lowered:
.L_overlay_start_0:
0x88: {  	s2 =	sld [smem:$0x3FD9]  }
0x89: {  	s3 =	sld [smem:$0x3FFE];
	_ =	sdelay $0x1  }
0x8a: {  	s1 =	srdreg.scid  }
0x8b: {  	s0 =	sand.u32 $0x1, s1  }
0x8c: {  	s17 =	sshll.u32 s0, $0xA;
	s2 =	sadd.s32 s3, s2  }
0x8d: {  	s2 =	sadd.s32 s2, s17  }
0x8e: {  	[smem:$0x3FC4] =	sst s2  }
0x8f: {  	_ = 	snop  }
0x90: {  	s2 =	sld [smem:$0x3FD0];
	(tm) =	ssettm $0x1  }
0x91: {  	s18 =	sld [smem:$0x3FFB];
	_ =	sdelay $0x3  }
0x92: {  	_ =	strace s18  }
0x93: {  	s3 =	sld [smem:$0x3FFC];
	_ =	sdelay $0x3  }
0x94: {  	_ =	strace s3  }
0x95: {  	s3 =	sld [smem:$0x3FFD];
	_ =	sdelay $0x3  }
0x96: {  	_ =	strace s3  }
0x97: {  	_ =	strace $0x8FFFFFFF  }
0x98: {  	s19 =	sld [smem:$0x3FDB];
	_ =	sdelay $0x1  }
0x99: {  	s4 =	simm.s32 $_scs_section_size  }
0x9a: {  	s5 =	simm.s32 $_size__tile_overlayer_lowered;
	s6 =	simm.s32 $_tile_overlayer_lowered  }
0x9b: {  	s22 =	simm.s32 $0x1BFF;
	s21 =	sshll.u32 s6, $0x1;
	s3 =	sadd.s32 s4, s19  }
0x9c: {  	s7 =	simm.s32 $0x0;
	s20 =	sshll.u32 s5, $0x1;
	s5 =	sadd.s32 s21, s3  }
0x9d: {  	[timem:s7], [sflag:s22] =	dma.local [hbm:s5], s20  }
0x9e: {  	_ =	swait.ge [sflag:s22], s20  }
0x9f: {  	s4 =	ssub.s32 $0x0, s20;
	[sflag:s22] =	ssyncset.done $0x0  }
0xa0: {  	[sflag:s22] =	ssyncadd.s32 s4;
	_ =	sdelay $0x1  }
0xa1: {  	s23 =	simm.s32 $0x1B8B  }
0xa2: {  	_ =	swait.ge [sflag:s23], $0x1  }
0xa3: {  	[sflag:s23] =	ssyncset.done $0x0  }
0xa4: {  	s25 =	simm.s32 $0x1B8E;
	s24 =	sld [smem:$0x3FFE];
	[sflag:s23] =	ssyncadd.s32 $0xFFFFFFFF  }
0xa5: {  	s26 =	simm.s32 $execute0_lowered;
	[smem:$0x3FD2] =	sst s25  }
0xa6: {  	s5 =	sshll.u32 s26, $0x1;
	_ =	strace $0x80000049;
	[dreg:$0x1] =	wrdreg $0xFFFFFFFF  }
0xa7: {  	s28 =	simm.s32 $_size_execute0_lowered;
	s3 =	sadd.s32 s3, s5;
	[dreg:$0x0] =	wrdreg $0x0  }
0xa8: {  	s5 =	sshll.u32 s28, $0x1;
	[dreg:$0x2] =	wrdreg s3  }
0xa9: {  	[dreg:$0x3] =	wrdreg s5  }
0xaa: {  	[dreg:$0x4] =	wrdreg $0xC0  }
0xab: {  	_ =	task [dreg:s7], $0x5FFFF  }
0xac: {  	[dreg:$0x1] =	wrdreg $0xFFFFFFFF  }
0xad: {  	[dreg:$0x0] =	wrdreg $0x60  }
0xae: {  	[dreg:$0x2] =	wrdreg s2  }
0xaf: {  	[dreg:$0x3] =	wrdreg s24  }
0xb0: {  	[dreg:$0x4] =	wrdreg $0x0  }
0xb1: {  	[dreg:$0x5] =	wrdreg $0x9  }
0xb2: {  	_ =	task.clear_ibuf [dreg:s7], $0x6FFFF;
	_ =	strace $0x90000049  }
0xb3: {  	s29 =	simm.s32 $0x9;
	_ =	strace $0x8000004B  }
0xb4: {  	_ =	swait.ge [sflag:s29], $0x1  }
0xb5: {  	[sflag:s29] =	ssyncadd.s32 $0xFFFFFFFF  }
0xb6: {  	_ =	strace $0x9000004B  }
0xb7: {  	_ =	sfence  }
0xb8: {  	s30 =	sld [smem:$0x0];
	_ =	sdelay $0x2  }
0xb9: {  	s31 =	sshll.u32 s1, $0xD;
	s1 =	sshrl.u32 s1, $0x2  }
0xba: {  	s3 =	sand.u32 $0x4000, s31;
	s1 =	sadd.s32 s1, s30  }
0xbb: {  	s0 =	sor.u32 s3, s0;
	s1 =	sshll.u32 s1, $0x11  }
0xbc: {  	s0 =	sor.u32 s1, s0  }
0xbd: {  	s0 =	sadd.s32 $0x8F2B, s0  }
0xbe: {  	[sflag:s0] =	ssyncadd.remote.s32 $0x1  }
0xbf: {  	_ =	sfence.sel $0xFFFF  }
0xc0: {  	[dreg:$0x0] =	wrdreg $0xFFFFFFFF;
	(pc) =	sbr.abs _section_cstart, $3  }
0xc1: {  	[dreg:$0x1] =	wrdreg $0xFFFFFFFF  }
0xc2: {  	_ =	task.clear_ibuf [dreg:s7], $0x2FFFF;
	_ =	strace $0x9FFFFFFF  }
0xc3: {  	(tm) =	ssettm $0x7FFFFFFF  }
tec
execute0_lowered:
.L_overlay_start_1:
0x0: {  	(tag) =	ssettag $0x1  }
0x1: {  	s0 =	rddreg [dreg:$0x0]  }
0x2: {  	s2 =	rddreg [dreg:$0x1]  }
0x3: {  	s1 =	rddreg [dreg:$0x2];
	s13 =	stileid.u32  }
0x4: {  	s3 =	srdreg.scid;
	s6 =	smul.u32 $0x13C00, s13  }
0x5: {  	s28 =	simm.s32 $0x17200;
	s29 =	simm.s32 $0x1;
	s8 =	smul.u32 $0x4F000, s13  }
0x6: {  	s30 =	simm.s32 $0x5;
	s7 =	sand.u32 $0x1, s3;
	s10 =	smul.u32 $0x2780, s13  }
0x7: {  	s31 =	simm.s32 $0x6;
	s3 =	simm.s32 $0x0;
	s5 =	smul.u32 $0x13C000, s7  }
0x8: {  	s4 =	sadd.s32 $0xF400, s2;
	s20 =	sshll.u32 s13, $0x6;
	s9 =	smul.u32 $0x27800, s7  }
0x9: {  	[smem:$0x7FF] =	sst s3;
	s11 =	ssub.s32 $0x2, s7;
	s7 =	smul.u32 $0x34000, s7  }
0xa: {  	_ =	strace $0x8000004A;
	s12 =	sshrl.u32 s11, $0x1;
	s8 =	sshrl.u32 s8, $0x2  }
0xb: {  	s6 =	sadd.s32 s6, s5;
	s5 =	sadd.s32 $0x15C00, s2;
	s11 =	ssub.s32 s11, s12  }
0xc: {  	s16 =	sadd.s32 s8, s1;
	s18 =	sadd.s32 s10, s9;
	s6 =	sshrl.u32 s6, $0x3  }
0xd: {  	s9 =	sor.u32 $0x1C08, s20;
	s2 =	sadd.s32 s6, s2;
	s6 =	smul.u32 $0x3400, s13  }
0xe: {  	s20 =	simm.s32 $0x13C00;
	s10 =	simm.s32 $0x7;
	s8 =	sadd.s32 s5, s18  }
0xf: {  	s17 =	smax.u32 s11, $0x1;
	[dreg:$0x4] =	wrdreg s8;
	s7 =	sadd.s32 s6, s7  }
0x10: {  	s26 =	sadd.s32 $0x64C00, s2;
	s19 =	sshrl.u32 s6, $0x3;
	s7 =	sshrl.u32 s7, $0x3  }
0x11: {  	[dreg:$0xb] =	wrdreg s26;
	s8 =	sadd.s32 s4, s19;
	s0 =	sadd.s32 s0, s7  }
0x12: {  	s18 =	sshrl.u32 s16, $0x3;
	s21 =	sadd.s32 $0x10, s8;
	[dreg:$0x5] =	wrdreg s0  }
0x13: {  	s11 =	simm.s32 $0x0;
	s22 =	sadd.s32 $0x20, s8;
	[dreg:$0x6] =	wrdreg s21  }
0x14: {  	s2 =	simm.s32 $0x2;
	s23 =	sadd.s32 $0x30, s8;
	[dreg:$0x7] =	wrdreg s22  }
.Ltmp0:
0x15: {  	s24 =	sadd.s32 $0x40, s8;
	[dreg:$0x8] =	wrdreg s23;
	(pc) =	sbr.rel .LBB2_1-.Ltmp0, $4  }
0x16: {  	s26 =	simm.s32 $0x64;
	s25 =	sadd.s32 $0x50, s8;
	[dreg:$0x9] =	wrdreg s24  }
0x17: {  	s19 =	simm.s32 $0x8;
	s7 =	simm.s32 $0x3;
	[dreg:$0xa] =	wrdreg s25  }
0x18: {  	s21 =	simm.s32 $0x17000;
	s22 =	simm.s32 $0x17080;
	s23 =	simm.s32 $0x17100  }
0x19: {  	s24 =	simm.s32 $0x17180;
	s25 =	simm.s32 $0x4;
	s0 =	simm.s32 $0x1A600  }
.LBB2_4:
0x1a: {  	_ =	swait.ge [sflag:s2], $0x3200  }
0x1b: {  	[sflag:s2] =	ssyncset.done $0x0  }
0x1c: {  	[sflag:s2] =	ssyncadd.s32 $0xFFFFCE00  }
0x1d: {  	_ =	swait.ge [sflag:s7], $0x3200  }
0x1e: {  	[sflag:s7] =	ssyncset.done $0x0  }
0x1f: {  	s11 =	sadd.s32 $0x1, s11;
	[sflag:s7] =	ssyncadd.s32 $0xFFFFCE00  }
0x20: {  	p0 =	sne.s32 s11, s17;
	[bflag:$0x0] =	sbarrier.arrive $0xFFFF  }
.Ltmp1:
0x21: {  	s12 =	rddreg [dreg:$0xb];
	(pc) =	sbr.rel @!p0 .LBB2_5-.Ltmp1, $4  }
0x22: {  	[hbm:s12], [sflag:s9] =	dma.local [spmem:s18], $0x2780  }
0x23: {  	_ =	swait.ge [sflag:s19], $0x2780  }
0x24: {  	[sflag:s19] =	ssyncset.done $0x0  }
0x25: {  	[sflag:s19] =	ssyncadd.s32 $0xFFFFD880  }
.LBB2_1:
0x26: {  	s12 =	rddreg [dreg:$0x4]  }
0x27: {  	[spmem:s18], [sflag:s9] =	dma.local [hbm:s12], $0x2780  }
0x28: {  	_ =	swait.ge [sflag:s19], $0x2780  }
0x29: {  	[sflag:s19] =	ssyncset.done $0x0  }
0x2a: {  	s16 =	rddreg [dreg:$0x5];
	[sflag:s19] =	ssyncadd.s32 $0xFFFFD880  }
0x2b: {  	[tilespmem:s20], [sflag:$0x8] =	stream.linear.gather [hbm4b:s16+s3], $0x3200, $0x38;
	[tilespmem:$0x1DA00] =	vst v63  }
0x2c: {  	_ =	swait.ge [sflag:s19], $0x3200  }
0x2d: {  	[sflag:s19] =	ssyncset.done $0x0  }
0x2e: {  	[sflag:s19] =	ssyncadd.s32 $0xFFFFCE00  }
0x2f: {  	[bflag:$0x0] =	sbarrier.arrive $0xFFFF  }
0x30: {  	[tilespmem:s21], [sflag:$0x4] =	stream.linear.gather [hbm4b:s8+s3], $0x80, $0x38;
	[tilespmem:$0x1DA00] =	vst v63  }
0x31: {  	s13 =	rddreg [dreg:$0x6]  }
0x32: {  	[tilespmem:s22], [sflag:$0x5] =	stream.linear.gather [hbm4b:s13+s3], $0x80, $0x38;
	[tilespmem:$0x1DA00] =	vst v63  }
0x33: {  	s14 =	rddreg [dreg:$0x7]  }
0x34: {  	[tilespmem:s23], [sflag:$0x6] =	stream.linear.gather [hbm4b:s14+s3], $0x80, $0x38;
	[tilespmem:$0x1DA00] =	vst v63  }
0x35: {  	s15 =	rddreg [dreg:$0x8]  }
0x36: {  	[tilespmem:s24], [sflag:$0x7] =	stream.linear.gather [hbm4b:s15+s3], $0x80, $0x38;
	[tilespmem:$0x1DA00] =	vst v63  }
0x37: {  	_ =	swait.ge [sflag:s25], $0x80  }
0x38: {  	[sflag:s25] =	ssyncset.done $0x0  }
0x39: {  	[sflag:s25] =	ssyncadd.s32 $0xFFFFFF80  }
0x3a: {  	[tilespmem:s28], [sflag:$0x1] =	stream.indirect.gather [hbm4b:s5+s26], $0x80, s20, s26, $0xb8;
	[tilespmem:$0x1DA00] =	vst v63  }
0x3b: {  	_ =	swait.ge [sflag:s29], $0x3200  }
0x3c: {  	[sflag:s29] =	ssyncset.done $0x0  }
0x3d: {  	[sflag:s29] =	ssyncadd.s32 $0xFFFFCE00  }
0x3e: {  	[spmem:s1] =	stream.indirect.scatter.add.f32 [tilespmem:s28], [sflag:$0x2], $0x80, s21, s26, $0xb8;
	[tilespmem:$0x1DA00] =	vst v63  }
0x3f: {  	_ =	swait.ge [sflag:s30], $0x80  }
0x40: {  	[sflag:s30] =	ssyncset.done $0x0  }
0x41: {  	s16 =	simm.s32 $0x13C80;
	[sflag:s30] =	ssyncadd.s32 $0xFFFFFF80  }
0x42: {  	[tilespmem:s0], [sflag:$0x1] =	stream.indirect.gather [hbm4b:s5+s26], $0x80, s16, s26, $0xb8;
	[tilespmem:$0x1DA00] =	vst v63  }
0x43: {  	_ =	swait.ge [sflag:s29], $0x3200  }
0x44: {  	[sflag:s29] =	ssyncset.done $0x0  }
0x45: {  	[sflag:s29] =	ssyncadd.s32 $0xFFFFCE00  }
0x46: {  	[spmem:s1] =	stream.indirect.scatter.add.f32 [tilespmem:s0], [sflag:$0x3], $0x80, s22, s26, $0xb8;
	[tilespmem:$0x1DA00] =	vst v63  }
0x47: {  	_ =	swait.ge [sflag:s2], $0x3200  }
0x48: {  	[sflag:s2] =	ssyncset.done $0x0  }
0x49: {  	[sflag:s2] =	ssyncadd.s32 $0xFFFFCE00  }
0x4a: {  	_ =	swait.ge [sflag:s31], $0x80  }
0x4b: {  	[sflag:s31] =	ssyncset.done $0x0  }
0x4c: {  	s13 =	simm.s32 $0x13D00;
	[sflag:s31] =	ssyncadd.s32 $0xFFFFFF80  }
0x4d: {  	[tilespmem:s28], [sflag:$0x1] =	stream.indirect.gather [hbm4b:s5+s26], $0x80, s13, s26, $0xb8;
	[tilespmem:$0x1DA00] =	vst v63  }
0x4e: {  	_ =	swait.ge [sflag:s29], $0x3200  }
0x4f: {  	[sflag:s29] =	ssyncset.done $0x0  }
0x50: {  	[sflag:s29] =	ssyncadd.s32 $0xFFFFCE00  }
0x51: {  	[spmem:s1] =	stream.indirect.scatter.add.f32 [tilespmem:s28], [sflag:$0x2], $0x80, s23, s26, $0xb8;
	[tilespmem:$0x1DA00] =	vst v63  }
0x52: {  	s14 =	rddreg [dreg:$0x9]  }
0x53: {  	[tilespmem:s21], [sflag:$0x4] =	stream.linear.gather [hbm4b:s14+s3], $0x80, $0x38;
	[tilespmem:$0x1DA00] =	vst v63  }
0x54: {  	_ =	swait.ge [sflag:s7], $0x3200  }
0x55: {  	[sflag:s7] =	ssyncset.done $0x0  }
0x56: {  	[sflag:s7] =	ssyncadd.s32 $0xFFFFCE00  }
0x57: {  	_ =	swait.ge [sflag:s10], $0x80  }
0x58: {  	[sflag:s10] =	ssyncset.done $0x0  }
0x59: {  	s15 =	simm.s32 $0x13D80;
	[sflag:s10] =	ssyncadd.s32 $0xFFFFFF80  }
0x5a: {  	[tilespmem:s0], [sflag:$0x1] =	stream.indirect.gather [hbm4b:s5+s26], $0x80, s15, s26, $0xb8;
	[tilespmem:$0x1DA00] =	vst v63  }
0x5b: {  	_ =	swait.ge [sflag:s29], $0x3200  }
0x5c: {  	[sflag:s29] =	ssyncset.done $0x0  }
0x5d: {  	[sflag:s29] =	ssyncadd.s32 $0xFFFFCE00  }
0x5e: {  	[spmem:s1] =	stream.indirect.scatter.add.f32 [tilespmem:s0], [sflag:$0x3], $0x80, s24, s26, $0xb8;
	[tilespmem:$0x1DA00] =	vst v63  }
0x5f: {  	s12 =	simm.s32 $0x480;
	s13 =	simm.s32 $0x13F80;
	s16 =	rddreg [dreg:$0xa]  }
0x60: {  	[tilespmem:s22], [sflag:$0x5] =	stream.linear.gather [hbm4b:s16+s3], $0x80, $0x38;
	[tilespmem:$0x1DA00] =	vst v63  }
.LBB2_2:
0x61: {  	_ =	swait.ge [sflag:s2], $0x3200  }
0x62: {  	[sflag:s2] =	ssyncset.done $0x0  }
0x63: {  	[sflag:s2] =	ssyncadd.s32 $0xFFFFCE00  }
0x64: {  	_ =	swait.ge [sflag:s25], $0x80  }
0x65: {  	[sflag:s25] =	ssyncset.done $0x0  }
0x66: {  	s14 =	sadd.s32 $0xFFFFFE80, s13;
	s15 =	sadd.s32 $0xFFFFFD80, s12;
	[sflag:s25] =	ssyncadd.s32 $0xFFFFFF80  }
0x67: {  	[tilespmem:s28], [sflag:$0x1] =	stream.indirect.gather [hbm4b:s5+s26], $0x80, s14, s26, $0xb8;
	[tilespmem:$0x1DA00] =	vst v63  }
0x68: {  	s14 =	sand.u32 $0x3C00, s15;
	s15 =	sadd.s32 $0xFFFFFE80, s12  }
0x69: {  	_ =	swait.ge [sflag:s29], $0x3200;
	s14 =	sadd.s32 s6, s14;
	s15 =	sand.u32 $0x300, s15  }
0x6a: {  	[sflag:s29] =	ssyncset.done $0x0;
	s15 =	sor.u32 s14, s15  }
0x6b: {  	[sflag:s29] =	ssyncadd.s32 $0xFFFFCE00;
	s15 =	sshrl.u32 s15, $0x3  }
0x6c: {  	[spmem:s1] =	stream.indirect.scatter.add.f32 [tilespmem:s28], [sflag:$0x2], $0x80, s21, s26, $0xb8;
	[tilespmem:$0x1DA00] =	vst v63  }
0x6d: {  	s15 =	sadd.s32 s4, s15  }
0x6e: {  	[tilespmem:s23], [sflag:$0x6] =	stream.linear.gather [hbm4b:s15+s3], $0x80, $0x38;
	[tilespmem:$0x1DA00] =	vst v63  }
0x6f: {  	_ =	swait.ge [sflag:s7], $0x3200  }
0x70: {  	[sflag:s7] =	ssyncset.done $0x0  }
0x71: {  	[sflag:s7] =	ssyncadd.s32 $0xFFFFCE00  }
0x72: {  	_ =	swait.ge [sflag:s30], $0x80  }
0x73: {  	[sflag:s30] =	ssyncset.done $0x0  }
0x74: {  	s16 =	sadd.s32 $0xFFFFFF00, s13;
	[sflag:s30] =	ssyncadd.s32 $0xFFFFFF80  }
0x75: {  	[tilespmem:s0], [sflag:$0x1] =	stream.indirect.gather [hbm4b:s5+s26], $0x80, s16, s26, $0xb8;
	[tilespmem:$0x1DA00] =	vst v63  }
0x76: {  	s16 =	sadd.s32 $0xFFFFFF00, s12  }
0x77: {  	_ =	swait.ge [sflag:s29], $0x3200;
	s15 =	sand.u32 $0x380, s16  }
0x78: {  	[sflag:s29] =	ssyncset.done $0x0;
	s14 =	sor.u32 s14, s15  }
0x79: {  	[sflag:s29] =	ssyncadd.s32 $0xFFFFCE00;
	s14 =	sshrl.u32 s14, $0x3  }
0x7a: {  	[spmem:s1] =	stream.indirect.scatter.add.f32 [tilespmem:s0], [sflag:$0x3], $0x80, s22, s26, $0xb8;
	[tilespmem:$0x1DA00] =	vst v63  }
0x7b: {  	s14 =	sadd.s32 s4, s14  }
0x7c: {  	[tilespmem:s24], [sflag:$0x7] =	stream.linear.gather [hbm4b:s14+s3], $0x80, $0x38;
	[tilespmem:$0x1DA00] =	vst v63  }
0x7d: {  	_ =	swait.ge [sflag:s2], $0x3200  }
0x7e: {  	[sflag:s2] =	ssyncset.done $0x0  }
0x7f: {  	[sflag:s2] =	ssyncadd.s32 $0xFFFFCE00  }
0x80: {  	p0 =	seq.s32 s12, $0x3280;
	_ =	swait.ge [sflag:s31], $0x80  }
0x81: {  	s14 =	sadd.s32 @!p0 $0xFFFFFF80, s12;
	[sflag:s31] =	ssyncset.done $0x0  }
0x82: {  	s16 =	sadd.s32 $0xFFFFFF80, s13;
	s15 =	sand.u32 @!p0 $0x7C00, s14;
	[sflag:s31] =	ssyncadd.s32 $0xFFFFFF80  }
0x83: {  	[tilespmem:s28], [sflag:$0x1] =	stream.indirect.gather [hbm4b:s5+s26], $0x80, s16, s26, $0xb8;
	[tilespmem:$0x1DA00] =	vst v63  }
0x84: {  	s14 =	sand.u32 @!p0 $0x200, s14;
	s15 =	sadd.s32 @!p0 s6, s15;
	_ =	swait.ge [sflag:s29], $0x3200  }
0x85: {  	s14 =	sor.u32 @!p0 s14, s15;
	[sflag:s29] =	ssyncset.done $0x0  }
0x86: {  	s14 =	sshrl.u32 @!p0 s14, $0x3;
	[sflag:s29] =	ssyncadd.s32 $0xFFFFCE00  }
0x87: {  	[spmem:s1] =	stream.indirect.scatter.add.f32 [tilespmem:s28], [sflag:$0x2], $0x80, s23, s26, $0xb8;
	[tilespmem:$0x1DA00] =	vst v63  }
0x88: {  	s15 =	simm.s32 @!p0 $0x0;
	s14 =	sadd.s32 @!p0 s4, s14;
	s16 =	simm.s32 @!p0 $0x17000  }
0x89: {  	[tilespmem:s16], [sflag:$0x4] =	stream.linear.gather @!p0 [hbm4b:s14+s15], $0x80, $0x38;
	[tilespmem:$0x1DA00] =	vst v63  }
0x8a: {  	_ =	swait.ge [sflag:s7], $0x3200  }
0x8b: {  	[sflag:s7] =	ssyncset.done $0x0  }
0x8c: {  	[sflag:s7] =	ssyncadd.s32 $0xFFFFCE00  }
0x8d: {  	_ =	swait.ge [sflag:s10], $0x80  }
0x8e: {  	[sflag:s10] =	ssyncset.done $0x0  }
0x8f: {  	[sflag:s10] =	ssyncadd.s32 $0xFFFFFF80  }
0x90: {  	[tilespmem:s0], [sflag:$0x1] =	stream.indirect.gather [hbm4b:s5+s26], $0x80, s13, s26, $0xb8;
	[tilespmem:$0x1DA00] =	vst v63  }
.Ltmp2:
0x91: {  	_ = 	snop;
	(pc) =	sbr.rel @p0 .LBB2_4-.Ltmp2, $4  }
0x92: {  	_ =	swait.ge [sflag:s29], $0x3200  }
0x93: {  	[sflag:s29] =	ssyncset.done $0x0  }
0x94: {  	[sflag:s29] =	ssyncadd.s32 $0xFFFFCE00  }
0x95: {  	[spmem:s1] =	stream.indirect.scatter.add.f32 [tilespmem:s0], [sflag:$0x3], $0x80, s24, s26, $0xb8;
	[tilespmem:$0x1DA00] =	vst v63  }
0x96: {  	s14 =	sand.u32 $0x7C00, s12  }
.Ltmp3:
0x97: {  	s15 =	sand.u32 $0x280, s12;
	s14 =	sadd.s32 s6, s14;
	(pc) =	sbr.rel .LBB2_2-.Ltmp3, $4  }
0x98: {  	s14 =	sor.u32 s15, s14  }
0x99: {  	s14 =	sshrl.u32 s14, $0x3  }
0x9a: {  	s12 =	sadd.s32 $0x200, s12;
	s13 =	sadd.s32 $0x200, s13;
	s14 =	sadd.s32 s4, s14  }
0x9b: {  	[tilespmem:s22], [sflag:$0x5] =	stream.linear.gather [hbm4b:s14+s3], $0x80, $0x38;
	[tilespmem:$0x1DA00] =	vst v63  }
.LBB2_5:
0x9c: {  	_ =	sfence.sel $0x180000  }
0x9d: {  	[bflag:$0x0] =	sbarrier.arrive $0xFFFF  }
0x9e: {  	_ =	strace $0x9000004A  }
0x9f: {  	s0 =	stileid.u32;
	[bflag:$0x2] =	sbarrier.arrive $0xFFFF  }
0xa0: {  	p0 =	sne.s32 s0, $0x0;
	s0 =	rddreg [dreg:$0x3]  }
0xa1: {  	s0 =	sadd.s32 @!p0 $0x100000, s0  }
0xa2: {  	[sflag:s0] =	ssyncadd.tile.s32 @!p0 $0x1;
	_ =	shalt  }
.Lfunc_end2:
_tile_overlayer_lowered:
.L_overlay_start_2:
0xa3: {  	(tag) =	ssettag $0x2  }
0xa4: {  	s0 =	rddreg [dreg:$0x0];
	s2 =	stileid.u32  }
0xa5: {  	s1 =	rddreg [dreg:$0x1];
	p0 =	sne.s32 s2, $0x0  }
0xa6: {  	s3 =	rddreg [dreg:$0x2];
	[bflag:$0x3] =	sbarrier.arrive $0xFFFF;
	s2 =	simm.s32 @!p0 $0x1C08  }
0xa7: {  	[timem:s3], [sflag:s2] =	dma.local @!p0 [hbm:s0], s1  }
0xa8: {  	s0 =	simm.s32 @!p0 $0x8  }
0xa9: {  	_ =	swait.ge @!p0 [sflag:s0], s1  }
0xaa: {  	s1 =	ssub.s32 @!p0 $0x0, s1;
	[sflag:s0] =	ssyncset.done @!p0 $0x0  }
0xab: {  	[sflag:s0] =	ssyncadd.s32 @!p0 s1  }
0xac: {  	[bflag:$0x3] =	sbarrier.arrive $0xFFFF  }
0xad: {  	_ =	shalt  }

</sc_bundles>
